<compile_context>
chip_gen: v7x
topology: tpu7x:2x2x1
jax: 0.10.2.dev20260603
libtpu: 0.0.44.dev20260713+nightly
codegen_flags: <defaults>
</compile_context>

<pallas_src>
import functools

import jax
import jax.numpy as jnp
from jax import lax
from jax.experimental import pallas as pl
from jax.experimental.pallas import tpu as pltpu
from jax.experimental.pallas import tpu_sc as plsc

_LOG2 = 0.6931471805599453

_NC = 2
_NS = 16
_NW = _NC * _NS


def _ssp(t):
    return jnp.maximum(t, 0.0) + jnp.log1p(jnp.exp(-jnp.abs(t))) - _LOG2



def _h_body(x_ref, w_ref, b_ref, o_ref):
    o_ref[...] = (
        jnp.dot(x_ref[...], w_ref[...], preferred_element_type=jnp.float32)
        + b_ref[...]
    )


def _wij_body(f_ref, rc_ref, w1_ref, b1_ref, w2_ref, b2_ref, o_ref):
    u = jnp.dot(f_ref[...], w1_ref[...], preferred_element_type=jnp.float32)
    t = _ssp(u + b1_ref[...])
    w = jnp.dot(t, w2_ref[...], preferred_element_type=jnp.float32) + b2_ref[...]
    o_ref[...] = w * rc_ref[...]


def _out_body(a_ref, w1_ref, b1_ref, w2_ref, b2_ref, o_ref):
    a = a_ref[0] + a_ref[1]
    t = _ssp(
        jnp.dot(a, w1_ref[...], preferred_element_type=jnp.float32) + b1_ref[...]
    )
    o_ref[...] = (
        jnp.dot(t, w2_ref[...], preferred_element_type=jnp.float32) + b2_ref[...]
    )



def _make_sc_scatter(N, E, D, C, interpret=False):
    EPW = E // _NW
    CH = EPW // C
    SUP = 25 if CH % 25 == 0 else CH
    RPT = N // _NS
    assert EPW % C == 0 and N % _NS == 0 and D % 16 == 0
    assert RPT % 8 == 0 and RPT % C == 0 and CH % SUP == 0

    mesh = plsc.VectorSubcoreMesh(
        core_axis_name="c", subcore_axis_name="s",
        num_cores=_NC, num_subcores=_NS,
    )

    @functools.partial(
        pl.kernel,
        out_type=jax.ShapeDtypeStruct((_NC, N, D), jnp.float32),
        mesh=mesh,
        interpret=interpret,
        scratch_types=[
            pltpu.VMEM((SUP, C), jnp.int32),
            pltpu.VMEM((SUP, C), jnp.int32),
            pltpu.VMEM((C, D), jnp.float32),
            pltpu.VMEM((C, D), jnp.float32),
            pltpu.VMEM_SHARED((N, D), jnp.float32),
            pltpu.SemaphoreType.DMA,
        ],
    )
    def sc_scatter(h_hbm, wij_hbm, idxj_hbm, idxi_hbm, out_hbm,
                   idxj_v, idxi_v, xj_v, wij_v, acc_sh, sem):
        c = lax.axis_index("c")
        s = lax.axis_index("s")
        w = s * _NC + c

        def _zrow(i, carry):
            for k in range(D // 16):
                wij_v[i, pl.ds(k * 16, 16)] = jnp.zeros((16,), jnp.float32)
            return carry
        lax.fori_loop(0, C, _zrow, 0)
        for z in range(RPT // C):
            pltpu.sync_copy(wij_v, acc_sh.at[pl.ds(s * RPT + z * C, C)])
        plsc.subcore_barrier()

        base_w = w * EPW

        def _super(g, carry):
            pltpu.sync_copy(idxj_hbm.at[w, g], idxj_v)
            pltpu.sync_copy(idxi_hbm.at[w, g], idxi_v)

            def _chunk(j, cc):
                base = base_w + (g * SUP + j) * C
                pltpu.async_copy(h_hbm.at[idxj_v.at[j]], xj_v, sem).wait()
                pltpu.sync_copy(wij_hbm.at[pl.ds(base, C)], wij_v)

                def _mrow(e, ccc):
                    for k in range(D // 16):
                        sl = pl.ds(k * 16, 16)
                        xj_v[e, sl] = xj_v[e, sl] * wij_v[e, sl]
                    return ccc
                lax.fori_loop(0, C, _mrow, 0)

                pltpu.sync_copy(xj_v, acc_sh.at[idxi_v.at[j]], add=True)
                return cc
            lax.fori_loop(0, SUP, _chunk, 0)
            return carry
        lax.fori_loop(0, CH // SUP, _super, 0)

        plsc.subcore_barrier()
        pltpu.sync_copy(acc_sh.at[pl.ds(s * RPT, RPT)],
                        out_hbm.at[c, pl.ds(s * RPT, RPT)])

    return sc_scatter



def kernel(x, pairlist, f_ij, rcut_ij, W1, b1, Wf1, bf1, Wf2, bf2, Wo1, bo1,
           Wo2, bo2):
    N, D = x.shape
    E, R = f_ij.shape
    F = W1.shape[1]
    BN = 2000 if N % 2000 == 0 else N
    BE = 2000 if E % 2000 == 0 else E
    C = 80

    h = pl.pallas_call(
        _h_body,
        grid=(N // BN,),
        in_specs=[
            pl.BlockSpec((BN, D), lambda i: (i, 0)),
            pl.BlockSpec((D, F), lambda i: (0, 0)),
            pl.BlockSpec((1, F), lambda i: (0, 0)),
        ],
        out_specs=pl.BlockSpec((BN, F), lambda i: (i, 0)),
        out_shape=jax.ShapeDtypeStruct((N, F), jnp.float32),
    )(x, W1, b1.reshape(1, F))

    wij = pl.pallas_call(
        _wij_body,
        grid=(E // BE,),
        in_specs=[
            pl.BlockSpec((BE, R), lambda i: (i, 0)),
            pl.BlockSpec((BE, 1), lambda i: (i, 0)),
            pl.BlockSpec((R, F), lambda i: (0, 0)),
            pl.BlockSpec((1, F), lambda i: (0, 0)),
            pl.BlockSpec((F, F), lambda i: (0, 0)),
            pl.BlockSpec((1, F), lambda i: (0, 0)),
        ],
        out_specs=pl.BlockSpec((BE, F), lambda i: (i, 0)),
        out_shape=jax.ShapeDtypeStruct((E, F), jnp.float32),
    )(f_ij, rcut_ij.reshape(E, 1), Wf1, bf1.reshape(1, F), Wf2,
      bf2.reshape(1, F))

    CH = E // (_NW * C)
    SUP = 25 if CH % 25 == 0 else CH
    idx_i = pairlist[0].astype(jnp.int32).reshape(_NW, CH // SUP, SUP, C)
    idx_j = pairlist[1].astype(jnp.int32).reshape(_NW, CH // SUP, SUP, C)

    NP = ((N + _NS * 128 - 1) // (_NS * 128)) * (_NS * 128)
    acc = _make_sc_scatter(NP, E, F, C)(h, wij, idx_j, idx_i)

    out = pl.pallas_call(
        _out_body,
        grid=(N // BN,),
        in_specs=[
            pl.BlockSpec((_NC, BN, F), lambda i: (0, i, 0)),
            pl.BlockSpec((F, D), lambda i: (0, 0)),
            pl.BlockSpec((1, D), lambda i: (0, 0)),
            pl.BlockSpec((D, D), lambda i: (0, 0)),
            pl.BlockSpec((1, D), lambda i: (0, 0)),
        ],
        out_specs=pl.BlockSpec((BN, D), lambda i: (i, 0)),
        out_shape=jax.ShapeDtypeStruct((N, D), jnp.float32),
    )(acc, Wo1, bo1.reshape(1, D), Wo2, bo2.reshape(1, D))

    return out

# --- scband reference (transcript-rebuilt; emitter-appended) ---
"""Pipeline reference for scband-sch-netinteraction-block-39041252720998 (READ-ONLY COPY).

The authoritative reference and input builder live on the scoring server;
editing this copy changes nothing except your own understanding.
"""

import jax, jax.numpy as jnp
import numpy as np

N, E, D, F, R = 10000, 320000, 128, 128, 16

def _linear_params(k, fan_in, fan_out):
    s = 1.0 / np.sqrt(fan_in)
    kw, kb = jax.random.split(k)
    W = jax.random.uniform(kw, (fan_in, fan_out), minval=-s, maxval=s, dtype=jnp.float32)
    b = jax.random.uniform(kb, (fan_out,), minval=-s, maxval=s, dtype=jnp.float32)
    return W, b

def setup_inputs(seed: int = 0) -> dict:
    key = jax.random.key(seed)
    ks = jax.random.split(key, 9)
    x = jax.random.normal(ks[0], (N, D), dtype=jnp.float32)
    pairlist = jax.random.randint(ks[1], (2, E), 0, N, dtype=jnp.int64) if jax.config.jax_enable_x64 else jax.random.randint(ks[1], (2, E), 0, N, dtype=jnp.int32)
    f_ij = jax.random.uniform(ks[2], (E, R), dtype=jnp.float32)
    rcut_ij = jax.random.uniform(ks[3], (E,), dtype=jnp.float32)
    W1, b1 = _linear_params(ks[4], D, F)
    Wf1, bf1 = _linear_params(ks[5], R, F)
    Wf2, bf2 = _linear_params(ks[6], F, F)
    Wo1, bo1 = _linear_params(ks[7], F, D)
    Wo2, bo2 = _linear_params(ks[8], D, D)
    return {"x": x, "pairlist": pairlist, "f_ij": f_ij, "rcut_ij": rcut_ij,
            "W1": W1, "b1": b1, "Wf1": Wf1, "bf1": bf1, "Wf2": Wf2, "bf2": bf2,
            "Wo1": Wo1, "bo1": bo1, "Wo2": Wo2, "bo2": bo2}

def _ssp(t):
    # ShiftedSoftplus: softplus(x) - log(2)
    return jax.nn.softplus(t) - jnp.log(2.0)

def reference(x, pairlist, f_ij, rcut_ij, W1, b1, Wf1, bf1, Wf2, bf2, Wo1, bo1, Wo2, bo2):
    # intput_to_feature: Linear(nr_atom_basis -> nr_filters)
    h = x @ W1 + b1
    # filter_network: Linear(nr_rbf -> nr_filters) + ShiftedSoftplus, then Linear(nr_filters -> nr_filters)
    Wij = _ssp(f_ij @ Wf1 + bf1) @ Wf2 + bf2
    Wij = Wij * rcut_ij[:, None]
    Wij = Wij.astype(h.dtype)
    idx_i = pairlist[0]
    idx_j = pairlist[1]
    x_j = jnp.take(h, idx_j, axis=0)
    x_ij = x_j * Wij
    x_native = jnp.zeros_like(h).at[idx_i].add(x_ij)
    # feature_to_output: Linear(nr_filters -> nr_atom_basis) + ShiftedSoftplus, then Linear(nr_atom_basis -> nr_atom_basis)
    out = _ssp(x_native @ Wo1 + bo1) @ Wo2 + bo2
    return out

if __name__ == "__main__":
    import jax
    _d = setup_inputs()
    print(jax.jit(kernel)(*tuple(_d.values())))

</pallas_src>

<mosaic_0001>
#map = affine_map<(d0, d1) -> (0, 0)>
#map1 = affine_map<(d0, d1) -> (0, 0, 0, 0)>
#map2 = affine_map<(d0, d1) -> (0, 0, 0)>
module attributes {stable_mosaic.version = 14 : i64} {
  func.func @sc_scatter(%arg0: i32, %arg1: i32, %arg2: memref<10000x128xf32, #tpu.memory_space<hbm>>, %arg3: memref<320000x128xf32, #tpu.memory_space<hbm>>, %arg4: memref<32x5x25x80xi32, #tpu.memory_space<hbm>>, %arg5: memref<32x5x25x80xi32, #tpu.memory_space<hbm>>, %arg6: memref<2x10240x128xf32, #tpu.memory_space<hbm>>, %arg7: memref<25x80xi32, #tpu.memory_space<vmem>>, %arg8: memref<25x80xi32, #tpu.memory_space<vmem>>, %arg9: memref<80x128xf32, #tpu.memory_space<vmem>>, %arg10: memref<80x128xf32, #tpu.memory_space<vmem>>, %arg11: memref<10240x128xf32, #tpu.memory_space<vmem_shared>>, %arg12: memref<!tpu.dma_semaphore, #tpu.memory_space<semaphore_mem>>) attributes {dimension_semantics = [#tpu.dimension_semantics<core_parallel>, #tpu.dimension_semantics<subcore_parallel>], iteration_bounds = array<i64: 2, 16>, scalar_prefetch = 0 : i64, scratch_operands = 6 : i64, tpu.core_type = #tpu.core_type<sc_vector_subcore>, window_params = [{transform_indices = #map}, {transform_indices = #map}, {transform_indices = #map1}, {transform_indices = #map1}, {transform_indices = #map2}]} {
    %mul3A = arith.constant 2 : i32
    %mul3A_0 = arith.muli %arg1, %mul3A : i32
    %add3A = arith.addi %mul3A_0, %arg0 : i32
    %scan3A = arith.constant 0 : i32
    %scan3A_1 = arith.constant 0 : i32
    %scan3A_2 = arith.constant 80 : i32
    %scan3A_3 = arith.addi %scan3A_1, %scan3A_2 : i32
    %scan3A_4 = arith.constant 1 : i32
    scf.for %scan3A_51 = %scan3A_1 to %scan3A_3 step %scan3A_4  : i32 {
      %broadcast_in_dim3A = arith.constant 0.000000e+00 : f32
      %broadcast_in_dim3A_52 = vector.broadcast %broadcast_in_dim3A : f32 to vector<16xf32>
      %swap3A = arith.index_cast %scan3A_51 : i32 to index
      %swap3A_53 = arith.constant 0 : index
      %swap3A_54 = tpu.vector_load %arg10[%swap3A, %swap3A_53] {strides = array<i32>} : memref<80x128xf32, #tpu.memory_space<vmem>>, vector<1x16xf32>,
      %swap3A_55 = vector.shape_cast %swap3A_54 : vector<1x16xf32> to vector<16xf32>
      %swap3A_56 = vector.shape_cast %broadcast_in_dim3A_52 : vector<16xf32> to vector<1x16xf32>
      tpu.vector_store %arg10[%swap3A, %swap3A_53], %swap3A_56 {strides = array<i32>} : memref<80x128xf32, #tpu.memory_space<vmem>>, vector<1x16xf32>,
      %broadcast_in_dim3A_57 = arith.constant 0.000000e+00 : f32
      %broadcast_in_dim3A_58 = vector.broadcast %broadcast_in_dim3A_57 : f32 to vector<16xf32>
      %swap3A_59 = arith.index_cast %scan3A_51 : i32 to index
      %swap3A_60 = arith.constant 16 : index
      %swap3A_61 = tpu.vector_load %arg10[%swap3A_59, %swap3A_60] {strides = array<i32>} : memref<80x128xf32, #tpu.memory_space<vmem>>, vector<1x16xf32>,
      %swap3A_62 = vector.shape_cast %swap3A_61 : vector<1x16xf32> to vector<16xf32>
      %swap3A_63 = vector.shape_cast %broadcast_in_dim3A_58 : vector<16xf32> to vector<1x16xf32>
      tpu.vector_store %arg10[%swap3A_59, %swap3A_60], %swap3A_63 {strides = array<i32>} : memref<80x128xf32, #tpu.memory_space<vmem>>, vector<1x16xf32>,
      %broadcast_in_dim3A_64 = arith.constant 0.000000e+00 : f32
      %broadcast_in_dim3A_65 = vector.broadcast %broadcast_in_dim3A_64 : f32 to vector<16xf32>
      %swap3A_66 = arith.index_cast %scan3A_51 : i32 to index
      %swap3A_67 = arith.constant 32 : index
      %swap3A_68 = tpu.vector_load %arg10[%swap3A_66, %swap3A_67] {strides = array<i32>} : memref<80x128xf32, #tpu.memory_space<vmem>>, vector<1x16xf32>,
      %swap3A_69 = vector.shape_cast %swap3A_68 : vector<1x16xf32> to vector<16xf32>
      %swap3A_70 = vector.shape_cast %broadcast_in_dim3A_65 : vector<16xf32> to vector<1x16xf32>
      tpu.vector_store %arg10[%swap3A_66, %swap3A_67], %swap3A_70 {strides = array<i32>} : memref<80x128xf32, #tpu.memory_space<vmem>>, vector<1x16xf32>,
      %broadcast_in_dim3A_71 = arith.constant 0.000000e+00 : f32
      %broadcast_in_dim3A_72 = vector.broadcast %broadcast_in_dim3A_71 : f32 to vector<16xf32>
      %swap3A_73 = arith.index_cast %scan3A_51 : i32 to index
      %swap3A_74 = arith.constant 48 : index
      %swap3A_75 = tpu.vector_load %arg10[%swap3A_73, %swap3A_74] {strides = array<i32>} : memref<80x128xf32, #tpu.memory_space<vmem>>, vector<1x16xf32>,
      %swap3A_76 = vector.shape_cast %swap3A_75 : vector<1x16xf32> to vector<16xf32>
      %swap3A_77 = vector.shape_cast %broadcast_in_dim3A_72 : vector<16xf32> to vector<1x16xf32>
      tpu.vector_store %arg10[%swap3A_73, %swap3A_74], %swap3A_77 {strides = array<i32>} : memref<80x128xf32, #tpu.memory_space<vmem>>, vector<1x16xf32>,
      %broadcast_in_dim3A_78 = arith.constant 0.000000e+00 : f32
      %broadcast_in_dim3A_79 = vector.broadcast %broadcast_in_dim3A_78 : f32 to vector<16xf32>
      %swap3A_80 = arith.index_cast %scan3A_51 : i32 to index
      %swap3A_81 = arith.constant 64 : index
      %swap3A_82 = tpu.vector_load %arg10[%swap3A_80, %swap3A_81] {strides = array<i32>} : memref<80x128xf32, #tpu.memory_space<vmem>>, vector<1x16xf32>,
      %swap3A_83 = vector.shape_cast %swap3A_82 : vector<1x16xf32> to vector<16xf32>
      %swap3A_84 = vector.shape_cast %broadcast_in_dim3A_79 : vector<16xf32> to vector<1x16xf32>
      tpu.vector_store %arg10[%swap3A_80, %swap3A_81], %swap3A_84 {strides = array<i32>} : memref<80x128xf32, #tpu.memory_space<vmem>>, vector<1x16xf32>,
      %broadcast_in_dim3A_85 = arith.constant 0.000000e+00 : f32
      %broadcast_in_dim3A_86 = vector.broadcast %broadcast_in_dim3A_85 : f32 to vector<16xf32>
      %swap3A_87 = arith.index_cast %scan3A_51 : i32 to index
      %swap3A_88 = arith.constant 80 : index
      %swap3A_89 = tpu.vector_load %arg10[%swap3A_87, %swap3A_88] {strides = array<i32>} : memref<80x128xf32, #tpu.memory_space<vmem>>, vector<1x16xf32>,
      %swap3A_90 = vector.shape_cast %swap3A_89 : vector<1x16xf32> to vector<16xf32>
      %swap3A_91 = vector.shape_cast %broadcast_in_dim3A_86 : vector<16xf32> to vector<1x16xf32>
      tpu.vector_store %arg10[%swap3A_87, %swap3A_88], %swap3A_91 {strides = array<i32>} : memref<80x128xf32, #tpu.memory_space<vmem>>, vector<1x16xf32>,
      %broadcast_in_dim3A_92 = arith.constant 0.000000e+00 : f32
      %broadcast_in_dim3A_93 = vector.broadcast %broadcast_in_dim3A_92 : f32 to vector<16xf32>
      %swap3A_94 = arith.index_cast %scan3A_51 : i32 to index
      %swap3A_95 = arith.constant 96 : index
      %swap3A_96 = tpu.vector_load %arg10[%swap3A_94, %swap3A_95] {strides = array<i32>} : memref<80x128xf32, #tpu.memory_space<vmem>>, vector<1x16xf32>,
      %swap3A_97 = vector.shape_cast %swap3A_96 : vector<1x16xf32> to vector<16xf32>
      %swap3A_98 = vector.shape_cast %broadcast_in_dim3A_93 : vector<16xf32> to vector<1x16xf32>
      tpu.vector_store %arg10[%swap3A_94, %swap3A_95], %swap3A_98 {strides = array<i32>} : memref<80x128xf32, #tpu.memory_space<vmem>>, vector<1x16xf32>,
      %broadcast_in_dim3A_99 = arith.constant 0.000000e+00 : f32
      %broadcast_in_dim3A_100 = vector.broadcast %broadcast_in_dim3A_99 : f32 to vector<16xf32>
      %swap3A_101 = arith.index_cast %scan3A_51 : i32 to index
      %swap3A_102 = arith.constant 112 : index
      %swap3A_103 = tpu.vector_load %arg10[%swap3A_101, %swap3A_102] {strides = array<i32>} : memref<80x128xf32, #tpu.memory_space<vmem>>, vector<1x16xf32>,
      %swap3A_104 = vector.shape_cast %swap3A_103 : vector<1x16xf32> to vector<16xf32>
      %swap3A_105 = vector.shape_cast %broadcast_in_dim3A_100 : vector<16xf32> to vector<1x16xf32>
      tpu.vector_store %arg10[%swap3A_101, %swap3A_102], %swap3A_105 {strides = array<i32>} : memref<80x128xf32, #tpu.memory_space<vmem>>, vector<1x16xf32>,
    }
    %scan3A_5 = arith.constant 80 : i32
    %mul3A_6 = arith.constant 640 : i32
    %mul3A_7 = arith.muli %arg1, %mul3A_6 : i32
    %add3A_8 = arith.constant 0 : i32
    %add3A_9 = arith.addi %mul3A_7, %add3A_8 : i32
    "tpu.region"() ({
      %run_scoped3A = tpu.sem_alloc : memref<!tpu.dma_semaphore, #tpu.memory_space<semaphore_mem>>
      %dma_start3A = arith.constant 0 : i32
      %dma_start3A_51 = tpu.memref_slice %arg11[%add3A_9, %dma_start3A] : memref<10240x128xf32, #tpu.memory_space<vmem_shared>> -> memref<80x128xf32, #tpu.memory_space<vmem_shared>>
      %dma_start3A_52 = arith.constant 0 : i32
      %dma_start3A_53 = tpu.memref_slice %arg11[%add3A_9, %dma_start3A_52] : memref<10240x128xf32, #tpu.memory_space<vmem_shared>> -> memref<80x128xf32, #tpu.memory_space<vmem_shared>>
      tpu.enqueue_dma source(%arg10 : memref<80x128xf32, #tpu.memory_space<vmem>>) target(%dma_start3A_53 : memref<80x128xf32, #tpu.memory_space<vmem_shared>>) target_semaphore(%run_scoped3A : memref<!tpu.dma_semaphore, #tpu.memory_space<semaphore_mem>>)
      %dma_wait3A = arith.constant 0 : i32
      %dma_wait3A_54 = tpu.memref_slice %arg11[%add3A_9, %dma_wait3A] : memref<10240x128xf32, #tpu.memory_space<vmem_shared>> -> memref<80x128xf32, #tpu.memory_space<vmem_shared>>
      %dma_wait3A_55 = arith.constant 0 : i32
      %dma_wait3A_56 = tpu.memref_slice %arg11[%add3A_9, %dma_wait3A_55] : memref<10240x128xf32, #tpu.memory_space<vmem_shared>> -> memref<80x128xf32, #tpu.memory_space<vmem_shared>>
      tpu.wait_dma2 semaphore(%run_scoped3A : memref<!tpu.dma_semaphore, #tpu.memory_space<semaphore_mem>>) src(%arg10 : memref<80x128xf32, #tpu.memory_space<vmem>>) dst(%dma_wait3A_56 : memref<80x128xf32, #tpu.memory_space<vmem_shared>>)
      tpu.yield
    }) : () -> ()
    %mul3A_10 = arith.constant 640 : i32
    %mul3A_11 = arith.muli %arg1, %mul3A_10 : i32
    %add3A_12 = arith.constant 80 : i32
    %add3A_13 = arith.addi %mul3A_11, %add3A_12 : i32
    "tpu.region"() ({
      %run_scoped3A = tpu.sem_alloc : memref<!tpu.dma_semaphore, #tpu.memory_space<semaphore_mem>>
      %dma_start3A = arith.constant 0 : i32
      %dma_start3A_51 = tpu.memref_slice %arg11[%add3A_13, %dma_start3A] : memref<10240x128xf32, #tpu.memory_space<vmem_shared>> -> memref<80x128xf32, #tpu.memory_space<vmem_shared>>
      %dma_start3A_52 = arith.constant 0 : i32
      %dma_start3A_53 = tpu.memref_slice %arg11[%add3A_13, %dma_start3A_52] : memref<10240x128xf32, #tpu.memory_space<vmem_shared>> -> memref<80x128xf32, #tpu.memory_space<vmem_shared>>
      tpu.enqueue_dma source(%arg10 : memref<80x128xf32, #tpu.memory_space<vmem>>) target(%dma_start3A_53 : memref<80x128xf32, #tpu.memory_space<vmem_shared>>) target_semaphore(%run_scoped3A : memref<!tpu.dma_semaphore, #tpu.memory_space<semaphore_mem>>)
      %dma_wait3A = arith.constant 0 : i32
      %dma_wait3A_54 = tpu.memref_slice %arg11[%add3A_13, %dma_wait3A] : memref<10240x128xf32, #tpu.memory_space<vmem_shared>> -> memref<80x128xf32, #tpu.memory_space<vmem_shared>>
      %dma_wait3A_55 = arith.constant 0 : i32
      %dma_wait3A_56 = tpu.memref_slice %arg11[%add3A_13, %dma_wait3A_55] : memref<10240x128xf32, #tpu.memory_space<vmem_shared>> -> memref<80x128xf32, #tpu.memory_space<vmem_shared>>
      tpu.wait_dma2 semaphore(%run_scoped3A : memref<!tpu.dma_semaphore, #tpu.memory_space<semaphore_mem>>) src(%arg10 : memref<80x128xf32, #tpu.memory_space<vmem>>) dst(%dma_wait3A_56 : memref<80x128xf32, #tpu.memory_space<vmem_shared>>)
      tpu.yield
    }) : () -> ()
    %mul3A_14 = arith.constant 640 : i32
    %mul3A_15 = arith.muli %arg1, %mul3A_14 : i32
    %add3A_16 = arith.constant 160 : i32
    %add3A_17 = arith.addi %mul3A_15, %add3A_16 : i32
    "tpu.region"() ({
      %run_scoped3A = tpu.sem_alloc : memref<!tpu.dma_semaphore, #tpu.memory_space<semaphore_mem>>
      %dma_start3A = arith.constant 0 : i32
      %dma_start3A_51 = tpu.memref_slice %arg11[%add3A_17, %dma_start3A] : memref<10240x128xf32, #tpu.memory_space<vmem_shared>> -> memref<80x128xf32, #tpu.memory_space<vmem_shared>>
      %dma_start3A_52 = arith.constant 0 : i32
      %dma_start3A_53 = tpu.memref_slice %arg11[%add3A_17, %dma_start3A_52] : memref<10240x128xf32, #tpu.memory_space<vmem_shared>> -> memref<80x128xf32, #tpu.memory_space<vmem_shared>>
      tpu.enqueue_dma source(%arg10 : memref<80x128xf32, #tpu.memory_space<vmem>>) target(%dma_start3A_53 : memref<80x128xf32, #tpu.memory_space<vmem_shared>>) target_semaphore(%run_scoped3A : memref<!tpu.dma_semaphore, #tpu.memory_space<semaphore_mem>>)
      %dma_wait3A = arith.constant 0 : i32
      %dma_wait3A_54 = tpu.memref_slice %arg11[%add3A_17, %dma_wait3A] : memref<10240x128xf32, #tpu.memory_space<vmem_shared>> -> memref<80x128xf32, #tpu.memory_space<vmem_shared>>
      %dma_wait3A_55 = arith.constant 0 : i32
      %dma_wait3A_56 = tpu.memref_slice %arg11[%add3A_17, %dma_wait3A_55] : memref<10240x128xf32, #tpu.memory_space<vmem_shared>> -> memref<80x128xf32, #tpu.memory_space<vmem_shared>>
      tpu.wait_dma2 semaphore(%run_scoped3A : memref<!tpu.dma_semaphore, #tpu.memory_space<semaphore_mem>>) src(%arg10 : memref<80x128xf32, #tpu.memory_space<vmem>>) dst(%dma_wait3A_56 : memref<80x128xf32, #tpu.memory_space<vmem_shared>>)
      tpu.yield
    }) : () -> ()
    %mul3A_18 = arith.constant 640 : i32
    %mul3A_19 = arith.muli %arg1, %mul3A_18 : i32
    %add3A_20 = arith.constant 240 : i32
    %add3A_21 = arith.addi %mul3A_19, %add3A_20 : i32
    "tpu.region"() ({
      %run_scoped3A = tpu.sem_alloc : memref<!tpu.dma_semaphore, #tpu.memory_space<semaphore_mem>>
      %dma_start3A = arith.constant 0 : i32
      %dma_start3A_51 = tpu.memref_slice %arg11[%add3A_21, %dma_start3A] : memref<10240x128xf32, #tpu.memory_space<vmem_shared>> -> memref<80x128xf32, #tpu.memory_space<vmem_shared>>
      %dma_start3A_52 = arith.constant 0 : i32
      %dma_start3A_53 = tpu.memref_slice %arg11[%add3A_21, %dma_start3A_52] : memref<10240x128xf32, #tpu.memory_space<vmem_shared>> -> memref<80x128xf32, #tpu.memory_space<vmem_shared>>
      tpu.enqueue_dma source(%arg10 : memref<80x128xf32, #tpu.memory_space<vmem>>) target(%dma_start3A_53 : memref<80x128xf32, #tpu.memory_space<vmem_shared>>) target_semaphore(%run_scoped3A : memref<!tpu.dma_semaphore, #tpu.memory_space<semaphore_mem>>)
      %dma_wait3A = arith.constant 0 : i32
      %dma_wait3A_54 = tpu.memref_slice %arg11[%add3A_21, %dma_wait3A] : memref<10240x128xf32, #tpu.memory_space<vmem_shared>> -> memref<80x128xf32, #tpu.memory_space<vmem_shared>>
      %dma_wait3A_55 = arith.constant 0 : i32
      %dma_wait3A_56 = tpu.memref_slice %arg11[%add3A_21, %dma_wait3A_55] : memref<10240x128xf32, #tpu.memory_space<vmem_shared>> -> memref<80x128xf32, #tpu.memory_space<vmem_shared>>
      tpu.wait_dma2 semaphore(%run_scoped3A : memref<!tpu.dma_semaphore, #tpu.memory_space<semaphore_mem>>) src(%arg10 : memref<80x128xf32, #tpu.memory_space<vmem>>) dst(%dma_wait3A_56 : memref<80x128xf32, #tpu.memory_space<vmem_shared>>)
      tpu.yield
    }) : () -> ()
    %mul3A_22 = arith.constant 640 : i32
    %mul3A_23 = arith.muli %arg1, %mul3A_22 : i32
    %add3A_24 = arith.constant 320 : i32
    %add3A_25 = arith.addi %mul3A_23, %add3A_24 : i32
    "tpu.region"() ({
      %run_scoped3A = tpu.sem_alloc : memref<!tpu.dma_semaphore, #tpu.memory_space<semaphore_mem>>
      %dma_start3A = arith.constant 0 : i32
      %dma_start3A_51 = tpu.memref_slice %arg11[%add3A_25, %dma_start3A] : memref<10240x128xf32, #tpu.memory_space<vmem_shared>> -> memref<80x128xf32, #tpu.memory_space<vmem_shared>>
      %dma_start3A_52 = arith.constant 0 : i32
      %dma_start3A_53 = tpu.memref_slice %arg11[%add3A_25, %dma_start3A_52] : memref<10240x128xf32, #tpu.memory_space<vmem_shared>> -> memref<80x128xf32, #tpu.memory_space<vmem_shared>>
      tpu.enqueue_dma source(%arg10 : memref<80x128xf32, #tpu.memory_space<vmem>>) target(%dma_start3A_53 : memref<80x128xf32, #tpu.memory_space<vmem_shared>>) target_semaphore(%run_scoped3A : memref<!tpu.dma_semaphore, #tpu.memory_space<semaphore_mem>>)
      %dma_wait3A = arith.constant 0 : i32
      %dma_wait3A_54 = tpu.memref_slice %arg11[%add3A_25, %dma_wait3A] : memref<10240x128xf32, #tpu.memory_space<vmem_shared>> -> memref<80x128xf32, #tpu.memory_space<vmem_shared>>
      %dma_wait3A_55 = arith.constant 0 : i32
      %dma_wait3A_56 = tpu.memref_slice %arg11[%add3A_25, %dma_wait3A_55] : memref<10240x128xf32, #tpu.memory_space<vmem_shared>> -> memref<80x128xf32, #tpu.memory_space<vmem_shared>>
      tpu.wait_dma2 semaphore(%run_scoped3A : memref<!tpu.dma_semaphore, #tpu.memory_space<semaphore_mem>>) src(%arg10 : memref<80x128xf32, #tpu.memory_space<vmem>>) dst(%dma_wait3A_56 : memref<80x128xf32, #tpu.memory_space<vmem_shared>>)
      tpu.yield
    }) : () -> ()
    %mul3A_26 = arith.constant 640 : i32
    %mul3A_27 = arith.muli %arg1, %mul3A_26 : i32
    %add3A_28 = arith.constant 400 : i32
    %add3A_29 = arith.addi %mul3A_27, %add3A_28 : i32
    "tpu.region"() ({
      %run_scoped3A = tpu.sem_alloc : memref<!tpu.dma_semaphore, #tpu.memory_space<semaphore_mem>>
      %dma_start3A = arith.constant 0 : i32
      %dma_start3A_51 = tpu.memref_slice %arg11[%add3A_29, %dma_start3A] : memref<10240x128xf32, #tpu.memory_space<vmem_shared>> -> memref<80x128xf32, #tpu.memory_space<vmem_shared>>
      %dma_start3A_52 = arith.constant 0 : i32
      %dma_start3A_53 = tpu.memref_slice %arg11[%add3A_29, %dma_start3A_52] : memref<10240x128xf32, #tpu.memory_space<vmem_shared>> -> memref<80x128xf32, #tpu.memory_space<vmem_shared>>
      tpu.enqueue_dma source(%arg10 : memref<80x128xf32, #tpu.memory_space<vmem>>) target(%dma_start3A_53 : memref<80x128xf32, #tpu.memory_space<vmem_shared>>) target_semaphore(%run_scoped3A : memref<!tpu.dma_semaphore, #tpu.memory_space<semaphore_mem>>)
      %dma_wait3A = arith.constant 0 : i32
      %dma_wait3A_54 = tpu.memref_slice %arg11[%add3A_29, %dma_wait3A] : memref<10240x128xf32, #tpu.memory_space<vmem_shared>> -> memref<80x128xf32, #tpu.memory_space<vmem_shared>>
      %dma_wait3A_55 = arith.constant 0 : i32
      %dma_wait3A_56 = tpu.memref_slice %arg11[%add3A_29, %dma_wait3A_55] : memref<10240x128xf32, #tpu.memory_space<vmem_shared>> -> memref<80x128xf32, #tpu.memory_space<vmem_shared>>
      tpu.wait_dma2 semaphore(%run_scoped3A : memref<!tpu.dma_semaphore, #tpu.memory_space<semaphore_mem>>) src(%arg10 : memref<80x128xf32, #tpu.memory_space<vmem>>) dst(%dma_wait3A_56 : memref<80x128xf32, #tpu.memory_space<vmem_shared>>)
      tpu.yield
    }) : () -> ()
    %mul3A_30 = arith.constant 640 : i32
    %mul3A_31 = arith.muli %arg1, %mul3A_30 : i32
    %add3A_32 = arith.constant 480 : i32
    %add3A_33 = arith.addi %mul3A_31, %add3A_32 : i32
    "tpu.region"() ({
      %run_scoped3A = tpu.sem_alloc : memref<!tpu.dma_semaphore, #tpu.memory_space<semaphore_mem>>
      %dma_start3A = arith.constant 0 : i32
      %dma_start3A_51 = tpu.memref_slice %arg11[%add3A_33, %dma_start3A] : memref<10240x128xf32, #tpu.memory_space<vmem_shared>> -> memref<80x128xf32, #tpu.memory_space<vmem_shared>>
      %dma_start3A_52 = arith.constant 0 : i32
      %dma_start3A_53 = tpu.memref_slice %arg11[%add3A_33, %dma_start3A_52] : memref<10240x128xf32, #tpu.memory_space<vmem_shared>> -> memref<80x128xf32, #tpu.memory_space<vmem_shared>>
      tpu.enqueue_dma source(%arg10 : memref<80x128xf32, #tpu.memory_space<vmem>>) target(%dma_start3A_53 : memref<80x128xf32, #tpu.memory_space<vmem_shared>>) target_semaphore(%run_scoped3A : memref<!tpu.dma_semaphore, #tpu.memory_space<semaphore_mem>>)
      %dma_wait3A = arith.constant 0 : i32
      %dma_wait3A_54 = tpu.memref_slice %arg11[%add3A_33, %dma_wait3A] : memref<10240x128xf32, #tpu.memory_space<vmem_shared>> -> memref<80x128xf32, #tpu.memory_space<vmem_shared>>
      %dma_wait3A_55 = arith.constant 0 : i32
      %dma_wait3A_56 = tpu.memref_slice %arg11[%add3A_33, %dma_wait3A_55] : memref<10240x128xf32, #tpu.memory_space<vmem_shared>> -> memref<80x128xf32, #tpu.memory_space<vmem_shared>>
      tpu.wait_dma2 semaphore(%run_scoped3A : memref<!tpu.dma_semaphore, #tpu.memory_space<semaphore_mem>>) src(%arg10 : memref<80x128xf32, #tpu.memory_space<vmem>>) dst(%dma_wait3A_56 : memref<80x128xf32, #tpu.memory_space<vmem_shared>>)
      tpu.yield
    }) : () -> ()
    %mul3A_34 = arith.constant 640 : i32
    %mul3A_35 = arith.muli %arg1, %mul3A_34 : i32
    %add3A_36 = arith.constant 560 : i32
    %add3A_37 = arith.addi %mul3A_35, %add3A_36 : i32
    "tpu.region"() ({
      %run_scoped3A = tpu.sem_alloc : memref<!tpu.dma_semaphore, #tpu.memory_space<semaphore_mem>>
      %dma_start3A = arith.constant 0 : i32
      %dma_start3A_51 = tpu.memref_slice %arg11[%add3A_37, %dma_start3A] : memref<10240x128xf32, #tpu.memory_space<vmem_shared>> -> memref<80x128xf32, #tpu.memory_space<vmem_shared>>
      %dma_start3A_52 = arith.constant 0 : i32
      %dma_start3A_53 = tpu.memref_slice %arg11[%add3A_37, %dma_start3A_52] : memref<10240x128xf32, #tpu.memory_space<vmem_shared>> -> memref<80x128xf32, #tpu.memory_space<vmem_shared>>
      tpu.enqueue_dma source(%arg10 : memref<80x128xf32, #tpu.memory_space<vmem>>) target(%dma_start3A_53 : memref<80x128xf32, #tpu.memory_space<vmem_shared>>) target_semaphore(%run_scoped3A : memref<!tpu.dma_semaphore, #tpu.memory_space<semaphore_mem>>)
      %dma_wait3A = arith.constant 0 : i32
      %dma_wait3A_54 = tpu.memref_slice %arg11[%add3A_37, %dma_wait3A] : memref<10240x128xf32, #tpu.memory_space<vmem_shared>> -> memref<80x128xf32, #tpu.memory_space<vmem_shared>>
      %dma_wait3A_55 = arith.constant 0 : i32
      %dma_wait3A_56 = tpu.memref_slice %arg11[%add3A_37, %dma_wait3A_55] : memref<10240x128xf32, #tpu.memory_space<vmem_shared>> -> memref<80x128xf32, #tpu.memory_space<vmem_shared>>
      tpu.wait_dma2 semaphore(%run_scoped3A : memref<!tpu.dma_semaphore, #tpu.memory_space<semaphore_mem>>) src(%arg10 : memref<80x128xf32, #tpu.memory_space<vmem>>) dst(%dma_wait3A_56 : memref<80x128xf32, #tpu.memory_space<vmem_shared>>)
      tpu.yield
    }) : () -> ()
    %barrier3A = arith.constant 0 : index
    tpu.barrier barrier_id(%barrier3A)
    %mul3A_38 = arith.constant 10000 : i32
    %mul3A_39 = arith.muli %add3A, %mul3A_38 : i32
    %scan3A_40 = arith.constant 0 : i32
    %scan3A_41 = arith.constant 0 : i32
    %scan3A_42 = arith.constant 5 : i32
    %scan3A_43 = arith.addi %scan3A_41, %scan3A_42 : i32
    %scan3A_44 = arith.constant 1 : i32
    scf.for %scan3A_51 = %scan3A_41 to %scan3A_43 step %scan3A_44  : i32 {
      "tpu.region"() ({
        %run_scoped3A = tpu.sem_alloc : memref<!tpu.dma_semaphore, #tpu.memory_space<semaphore_mem>>
        %dma_start3A = arith.constant 0 : i32
        %dma_start3A_58 = arith.constant 0 : i32
        %dma_start3A_59 = tpu.memref_slice %arg4[%add3A, %scan3A_51, %dma_start3A, %dma_start3A_58] : memref<32x5x25x80xi32, #tpu.memory_space<hbm>> -> memref<1x1x25x80xi32, #tpu.memory_space<hbm>>
        %dma_start3A_60 = tpu.memref_squeeze %dma_start3A_59 : memref<1x1x25x80xi32, #tpu.memory_space<hbm>> -> memref<25x80xi32, #tpu.memory_space<hbm>>
        %dma_start3A_61 = arith.constant 0 : i32
        %dma_start3A_62 = arith.constant 0 : i32
        %dma_start3A_63 = tpu.memref_slice %arg4[%add3A, %scan3A_51, %dma_start3A_61, %dma_start3A_62] : memref<32x5x25x80xi32, #tpu.memory_space<hbm>> -> memref<1x1x25x80xi32, #tpu.memory_space<hbm>>
        %dma_start3A_64 = tpu.memref_squeeze %dma_start3A_63 : memref<1x1x25x80xi32, #tpu.memory_space<hbm>> -> memref<25x80xi32, #tpu.memory_space<hbm>>
        tpu.enqueue_dma source(%dma_start3A_64 : memref<25x80xi32, #tpu.memory_space<hbm>>) target(%arg7 : memref<25x80xi32, #tpu.memory_space<vmem>>) target_semaphore(%run_scoped3A : memref<!tpu.dma_semaphore, #tpu.memory_space<semaphore_mem>>)
        %dma_wait3A = arith.constant 0 : i32
        %dma_wait3A_65 = arith.constant 0 : i32
        %dma_wait3A_66 = tpu.memref_slice %arg4[%add3A, %scan3A_51, %dma_wait3A, %dma_wait3A_65] : memref<32x5x25x80xi32, #tpu.memory_space<hbm>> -> memref<1x1x25x80xi32, #tpu.memory_space<hbm>>
        %dma_wait3A_67 = tpu.memref_squeeze %dma_wait3A_66 : memref<1x1x25x80xi32, #tpu.memory_space<hbm>> -> memref<25x80xi32, #tpu.memory_space<hbm>>
        %dma_wait3A_68 = arith.constant 0 : i32
        %dma_wait3A_69 = arith.constant 0 : i32
        %dma_wait3A_70 = tpu.memref_slice %arg4[%add3A, %scan3A_51, %dma_wait3A_68, %dma_wait3A_69] : memref<32x5x25x80xi32, #tpu.memory_space<hbm>> -> memref<1x1x25x80xi32, #tpu.memory_space<hbm>>
        %dma_wait3A_71 = tpu.memref_squeeze %dma_wait3A_70 : memref<1x1x25x80xi32, #tpu.memory_space<hbm>> -> memref<25x80xi32, #tpu.memory_space<hbm>>
        tpu.wait_dma2 semaphore(%run_scoped3A : memref<!tpu.dma_semaphore, #tpu.memory_space<semaphore_mem>>) src(%dma_wait3A_71 : memref<25x80xi32, #tpu.memory_space<hbm>>) dst(%arg7 : memref<25x80xi32, #tpu.memory_space<vmem>>)
        tpu.yield
      }) : () -> ()
      "tpu.region"() ({
        %run_scoped3A = tpu.sem_alloc : memref<!tpu.dma_semaphore, #tpu.memory_space<semaphore_mem>>
        %dma_start3A = arith.constant 0 : i32
        %dma_start3A_58 = arith.constant 0 : i32
        %dma_start3A_59 = tpu.memref_slice %arg5[%add3A, %scan3A_51, %dma_start3A, %dma_start3A_58] : memref<32x5x25x80xi32, #tpu.memory_space<hbm>> -> memref<1x1x25x80xi32, #tpu.memory_space<hbm>>
        %dma_start3A_60 = tpu.memref_squeeze %dma_start3A_59 : memref<1x1x25x80xi32, #tpu.memory_space<hbm>> -> memref<25x80xi32, #tpu.memory_space<hbm>>
        %dma_start3A_61 = arith.constant 0 : i32
        %dma_start3A_62 = arith.constant 0 : i32
        %dma_start3A_63 = tpu.memref_slice %arg5[%add3A, %scan3A_51, %dma_start3A_61, %dma_start3A_62] : memref<32x5x25x80xi32, #tpu.memory_space<hbm>> -> memref<1x1x25x80xi32, #tpu.memory_space<hbm>>
        %dma_start3A_64 = tpu.memref_squeeze %dma_start3A_63 : memref<1x1x25x80xi32, #tpu.memory_space<hbm>> -> memref<25x80xi32, #tpu.memory_space<hbm>>
        tpu.enqueue_dma source(%dma_start3A_64 : memref<25x80xi32, #tpu.memory_space<hbm>>) target(%arg8 : memref<25x80xi32, #tpu.memory_space<vmem>>) target_semaphore(%run_scoped3A : memref<!tpu.dma_semaphore, #tpu.memory_space<semaphore_mem>>)
        %dma_wait3A = arith.constant 0 : i32
        %dma_wait3A_65 = arith.constant 0 : i32
        %dma_wait3A_66 = tpu.memref_slice %arg5[%add3A, %scan3A_51, %dma_wait3A, %dma_wait3A_65] : memref<32x5x25x80xi32, #tpu.memory_space<hbm>> -> memref<1x1x25x80xi32, #tpu.memory_space<hbm>>
        %dma_wait3A_67 = tpu.memref_squeeze %dma_wait3A_66 : memref<1x1x25x80xi32, #tpu.memory_space<hbm>> -> memref<25x80xi32, #tpu.memory_space<hbm>>
        %dma_wait3A_68 = arith.constant 0 : i32
        %dma_wait3A_69 = arith.constant 0 : i32
        %dma_wait3A_70 = tpu.memref_slice %arg5[%add3A, %scan3A_51, %dma_wait3A_68, %dma_wait3A_69] : memref<32x5x25x80xi32, #tpu.memory_space<hbm>> -> memref<1x1x25x80xi32, #tpu.memory_space<hbm>>
        %dma_wait3A_71 = tpu.memref_squeeze %dma_wait3A_70 : memref<1x1x25x80xi32, #tpu.memory_space<hbm>> -> memref<25x80xi32, #tpu.memory_space<hbm>>
        tpu.wait_dma2 semaphore(%run_scoped3A : memref<!tpu.dma_semaphore, #tpu.memory_space<semaphore_mem>>) src(%dma_wait3A_71 : memref<25x80xi32, #tpu.memory_space<hbm>>) dst(%arg8 : memref<25x80xi32, #tpu.memory_space<vmem>>)
        tpu.yield
      }) : () -> ()
      %scan3A_52 = arith.constant 0 : i32
      %scan3A_53 = arith.constant 0 : i32
      %scan3A_54 = arith.constant 25 : i32
      %scan3A_55 = arith.addi %scan3A_53, %scan3A_54 : i32
      %scan3A_56 = arith.constant 1 : i32
      scf.for %scan3A_58 = %scan3A_53 to %scan3A_55 step %scan3A_56  : i32 {
        %mul3A_59 = arith.constant 25 : i32
        %mul3A_60 = arith.muli %scan3A_51, %mul3A_59 : i32
        %add3A_61 = arith.addi %mul3A_60, %scan3A_58 : i32
        %mul3A_62 = arith.constant 80 : i32
        %mul3A_63 = arith.muli %add3A_61, %mul3A_62 : i32
        %add3A_64 = arith.addi %mul3A_39, %mul3A_63 : i32
        %dma_start3A = arith.constant 0 : i32
        %dma_start3A_65 = tpu.memref_slice %arg7[%scan3A_58, %dma_start3A] : memref<25x80xi32, #tpu.memory_space<vmem>> -> memref<1x80xi32, #tpu.memory_space<vmem>>
        %dma_start3A_66 = tpu.memref_squeeze %dma_start3A_65 : memref<1x80xi32, #tpu.memory_space<vmem>> -> memref<80xi32, #tpu.memory_space<vmem>>
        %dma_start3A_67 = arith.constant 0 : i32
        %dma_start3A_68 = arith.constant 0 : i32
        %dma_start3A_69 = tpu.memref_slice %arg2[%dma_start3A_67, %dma_start3A_68] : memref<10000x128xf32, #tpu.memory_space<hbm>> -> memref<10000x128xf32, #tpu.memory_space<hbm>>
        tpu.enqueue_indirect_dma source(%dma_start3A_69 : memref<10000x128xf32, #tpu.memory_space<hbm>>) target(%arg9 : memref<80x128xf32, #tpu.memory_space<vmem>>) offsets(%dma_start3A_66 : memref<80xi32, #tpu.memory_space<vmem>>) semaphore(%arg12 : memref<!tpu.dma_semaphore, #tpu.memory_space<semaphore_mem>>)
        %dma_wait3A = arith.constant 0 : i32
        %dma_wait3A_70 = tpu.memref_slice %arg7[%scan3A_58, %dma_wait3A] : memref<25x80xi32, #tpu.memory_space<vmem>> -> memref<1x80xi32, #tpu.memory_space<vmem>>
        %dma_wait3A_71 = tpu.memref_squeeze %dma_wait3A_70 : memref<1x80xi32, #tpu.memory_space<vmem>> -> memref<80xi32, #tpu.memory_space<vmem>>
        %dma_wait3A_72 = arith.constant 0 : i32
        %dma_wait3A_73 = arith.constant 0 : i32
        %dma_wait3A_74 = tpu.memref_slice %arg2[%dma_wait3A_72, %dma_wait3A_73] : memref<10000x128xf32, #tpu.memory_space<hbm>> -> memref<10000x128xf32, #tpu.memory_space<hbm>>
        tpu.wait_indirect_dma semaphore(%arg12 : memref<!tpu.dma_semaphore, #tpu.memory_space<semaphore_mem>>) src(%dma_wait3A_74 : memref<10000x128xf32, #tpu.memory_space<hbm>>) dst(%arg9 : memref<80x128xf32, #tpu.memory_space<vmem>>)
        "tpu.region"() ({
          %run_scoped3A = tpu.sem_alloc : memref<!tpu.dma_semaphore, #tpu.memory_space<semaphore_mem>>
          %dma_start3A_81 = arith.constant 0 : i32
          %dma_start3A_82 = tpu.memref_slice %arg3[%add3A_64, %dma_start3A_81] : memref<320000x128xf32, #tpu.memory_space<hbm>> -> memref<80x128xf32, #tpu.memory_space<hbm>>
          %dma_start3A_83 = arith.constant 0 : i32
          %dma_start3A_84 = tpu.memref_slice %arg3[%add3A_64, %dma_start3A_83] : memref<320000x128xf32, #tpu.memory_space<hbm>> -> memref<80x128xf32, #tpu.memory_space<hbm>>
          tpu.enqueue_dma source(%dma_start3A_84 : memref<80x128xf32, #tpu.memory_space<hbm>>) target(%arg10 : memref<80x128xf32, #tpu.memory_space<vmem>>) target_semaphore(%run_scoped3A : memref<!tpu.dma_semaphore, #tpu.memory_space<semaphore_mem>>)
          %dma_wait3A_85 = arith.constant 0 : i32
          %dma_wait3A_86 = tpu.memref_slice %arg3[%add3A_64, %dma_wait3A_85] : memref<320000x128xf32, #tpu.memory_space<hbm>> -> memref<80x128xf32, #tpu.memory_space<hbm>>
          %dma_wait3A_87 = arith.constant 0 : i32
          %dma_wait3A_88 = tpu.memref_slice %arg3[%add3A_64, %dma_wait3A_87] : memref<320000x128xf32, #tpu.memory_space<hbm>> -> memref<80x128xf32, #tpu.memory_space<hbm>>
          tpu.wait_dma2 semaphore(%run_scoped3A : memref<!tpu.dma_semaphore, #tpu.memory_space<semaphore_mem>>) src(%dma_wait3A_88 : memref<80x128xf32, #tpu.memory_space<hbm>>) dst(%arg10 : memref<80x128xf32, #tpu.memory_space<vmem>>)
          tpu.yield
        }) : () -> ()
        %scan3A_75 = arith.constant 0 : i32
        %scan3A_76 = arith.constant 0 : i32
        %scan3A_77 = arith.constant 80 : i32
        %scan3A_78 = arith.addi %scan3A_76, %scan3A_77 : i32
        %scan3A_79 = arith.constant 1 : i32
        scf.for %scan3A_81 = %scan3A_76 to %scan3A_78 step %scan3A_79  : i32 {
          %get3A = arith.index_cast %scan3A_81 : i32 to index
          %get3A_82 = arith.constant 0 : index
          %get3A_83 = tpu.vector_load %arg9[%get3A, %get3A_82] {strides = array<i32>} : memref<80x128xf32, #tpu.memory_space<vmem>>, vector<1x16xf32>,
          %get3A_84 = vector.shape_cast %get3A_83 : vector<1x16xf32> to vector<16xf32>
          %get3A_85 = arith.index_cast %scan3A_81 : i32 to index
          %get3A_86 = arith.constant 0 : index
          %get3A_87 = tpu.vector_load %arg10[%get3A_85, %get3A_86] {strides = array<i32>} : memref<80x128xf32, #tpu.memory_space<vmem>>, vector<1x16xf32>,
          %get3A_88 = vector.shape_cast %get3A_87 : vector<1x16xf32> to vector<16xf32>
          %mul3A_89 = arith.mulf %get3A_84, %get3A_88 : vector<16xf32>
          %swap3A = arith.index_cast %scan3A_81 : i32 to index
          %swap3A_90 = arith.constant 0 : index
          %swap3A_91 = tpu.vector_load %arg9[%swap3A, %swap3A_90] {strides = array<i32>} : memref<80x128xf32, #tpu.memory_space<vmem>>, vector<1x16xf32>,
          %swap3A_92 = vector.shape_cast %swap3A_91 : vector<1x16xf32> to vector<16xf32>
          %swap3A_93 = vector.shape_cast %mul3A_89 : vector<16xf32> to vector<1x16xf32>
          tpu.vector_store %arg9[%swap3A, %swap3A_90], %swap3A_93 {strides = array<i32>} : memref<80x128xf32, #tpu.memory_space<vmem>>, vector<1x16xf32>,
          %get3A_94 = arith.index_cast %scan3A_81 : i32 to index
          %get3A_95 = arith.constant 16 : index
          %get3A_96 = tpu.vector_load %arg9[%get3A_94, %get3A_95] {strides = array<i32>} : memref<80x128xf32, #tpu.memory_space<vmem>>, vector<1x16xf32>,
          %get3A_97 = vector.shape_cast %get3A_96 : vector<1x16xf32> to vector<16xf32>
          %get3A_98 = arith.index_cast %scan3A_81 : i32 to index
          %get3A_99 = arith.constant 16 : index
          %get3A_100 = tpu.vector_load %arg10[%get3A_98, %get3A_99] {strides = array<i32>} : memref<80x128xf32, #tpu.memory_space<vmem>>, vector<1x16xf32>,
          %get3A_101 = vector.shape_cast %get3A_100 : vector<1x16xf32> to vector<16xf32>
          %mul3A_102 = arith.mulf %get3A_97, %get3A_101 : vector<16xf32>
          %swap3A_103 = arith.index_cast %scan3A_81 : i32 to index
          %swap3A_104 = arith.constant 16 : index
          %swap3A_105 = tpu.vector_load %arg9[%swap3A_103, %swap3A_104] {strides = array<i32>} : memref<80x128xf32, #tpu.memory_space<vmem>>, vector<1x16xf32>,
          %swap3A_106 = vector.shape_cast %swap3A_105 : vector<1x16xf32> to vector<16xf32>
          %swap3A_107 = vector.shape_cast %mul3A_102 : vector<16xf32> to vector<1x16xf32>
          tpu.vector_store %arg9[%swap3A_103, %swap3A_104], %swap3A_107 {strides = array<i32>} : memref<80x128xf32, #tpu.memory_space<vmem>>, vector<1x16xf32>,
          %get3A_108 = arith.index_cast %scan3A_81 : i32 to index
          %get3A_109 = arith.constant 32 : index
          %get3A_110 = tpu.vector_load %arg9[%get3A_108, %get3A_109] {strides = array<i32>} : memref<80x128xf32, #tpu.memory_space<vmem>>, vector<1x16xf32>,
          %get3A_111 = vector.shape_cast %get3A_110 : vector<1x16xf32> to vector<16xf32>
          %get3A_112 = arith.index_cast %scan3A_81 : i32 to index
          %get3A_113 = arith.constant 32 : index
          %get3A_114 = tpu.vector_load %arg10[%get3A_112, %get3A_113] {strides = array<i32>} : memref<80x128xf32, #tpu.memory_space<vmem>>, vector<1x16xf32>,
          %get3A_115 = vector.shape_cast %get3A_114 : vector<1x16xf32> to vector<16xf32>
          %mul3A_116 = arith.mulf %get3A_111, %get3A_115 : vector<16xf32>
          %swap3A_117 = arith.index_cast %scan3A_81 : i32 to index
          %swap3A_118 = arith.constant 32 : index
          %swap3A_119 = tpu.vector_load %arg9[%swap3A_117, %swap3A_118] {strides = array<i32>} : memref<80x128xf32, #tpu.memory_space<vmem>>, vector<1x16xf32>,
          %swap3A_120 = vector.shape_cast %swap3A_119 : vector<1x16xf32> to vector<16xf32>
          %swap3A_121 = vector.shape_cast %mul3A_116 : vector<16xf32> to vector<1x16xf32>
          tpu.vector_store %arg9[%swap3A_117, %swap3A_118], %swap3A_121 {strides = array<i32>} : memref<80x128xf32, #tpu.memory_space<vmem>>, vector<1x16xf32>,
          %get3A_122 = arith.index_cast %scan3A_81 : i32 to index
          %get3A_123 = arith.constant 48 : index
          %get3A_124 = tpu.vector_load %arg9[%get3A_122, %get3A_123] {strides = array<i32>} : memref<80x128xf32, #tpu.memory_space<vmem>>, vector<1x16xf32>,
          %get3A_125 = vector.shape_cast %get3A_124 : vector<1x16xf32> to vector<16xf32>
          %get3A_126 = arith.index_cast %scan3A_81 : i32 to index
          %get3A_127 = arith.constant 48 : index
          %get3A_128 = tpu.vector_load %arg10[%get3A_126, %get3A_127] {strides = array<i32>} : memref<80x128xf32, #tpu.memory_space<vmem>>, vector<1x16xf32>,
          %get3A_129 = vector.shape_cast %get3A_128 : vector<1x16xf32> to vector<16xf32>
          %mul3A_130 = arith.mulf %get3A_125, %get3A_129 : vector<16xf32>
          %swap3A_131 = arith.index_cast %scan3A_81 : i32 to index
          %swap3A_132 = arith.constant 48 : index
          %swap3A_133 = tpu.vector_load %arg9[%swap3A_131, %swap3A_132] {strides = array<i32>} : memref<80x128xf32, #tpu.memory_space<vmem>>, vector<1x16xf32>,
          %swap3A_134 = vector.shape_cast %swap3A_133 : vector<1x16xf32> to vector<16xf32>
          %swap3A_135 = vector.shape_cast %mul3A_130 : vector<16xf32> to vector<1x16xf32>
          tpu.vector_store %arg9[%swap3A_131, %swap3A_132], %swap3A_135 {strides = array<i32>} : memref<80x128xf32, #tpu.memory_space<vmem>>, vector<1x16xf32>,
          %get3A_136 = arith.index_cast %scan3A_81 : i32 to index
          %get3A_137 = arith.constant 64 : index
          %get3A_138 = tpu.vector_load %arg9[%get3A_136, %get3A_137] {strides = array<i32>} : memref<80x128xf32, #tpu.memory_space<vmem>>, vector<1x16xf32>,
          %get3A_139 = vector.shape_cast %get3A_138 : vector<1x16xf32> to vector<16xf32>
          %get3A_140 = arith.index_cast %scan3A_81 : i32 to index
          %get3A_141 = arith.constant 64 : index
          %get3A_142 = tpu.vector_load %arg10[%get3A_140, %get3A_141] {strides = array<i32>} : memref<80x128xf32, #tpu.memory_space<vmem>>, vector<1x16xf32>,
          %get3A_143 = vector.shape_cast %get3A_142 : vector<1x16xf32> to vector<16xf32>
          %mul3A_144 = arith.mulf %get3A_139, %get3A_143 : vector<16xf32>
          %swap3A_145 = arith.index_cast %scan3A_81 : i32 to index
          %swap3A_146 = arith.constant 64 : index
          %swap3A_147 = tpu.vector_load %arg9[%swap3A_145, %swap3A_146] {strides = array<i32>} : memref<80x128xf32, #tpu.memory_space<vmem>>, vector<1x16xf32>,
          %swap3A_148 = vector.shape_cast %swap3A_147 : vector<1x16xf32> to vector<16xf32>
          %swap3A_149 = vector.shape_cast %mul3A_144 : vector<16xf32> to vector<1x16xf32>
          tpu.vector_store %arg9[%swap3A_145, %swap3A_146], %swap3A_149 {strides = array<i32>} : memref<80x128xf32, #tpu.memory_space<vmem>>, vector<1x16xf32>,
          %get3A_150 = arith.index_cast %scan3A_81 : i32 to index
          %get3A_151 = arith.constant 80 : index
          %get3A_152 = tpu.vector_load %arg9[%get3A_150, %get3A_151] {strides = array<i32>} : memref<80x128xf32, #tpu.memory_space<vmem>>, vector<1x16xf32>,
          %get3A_153 = vector.shape_cast %get3A_152 : vector<1x16xf32> to vector<16xf32>
          %get3A_154 = arith.index_cast %scan3A_81 : i32 to index
          %get3A_155 = arith.constant 80 : index
          %get3A_156 = tpu.vector_load %arg10[%get3A_154, %get3A_155] {strides = array<i32>} : memref<80x128xf32, #tpu.memory_space<vmem>>, vector<1x16xf32>,
          %get3A_157 = vector.shape_cast %get3A_156 : vector<1x16xf32> to vector<16xf32>
          %mul3A_158 = arith.mulf %get3A_153, %get3A_157 : vector<16xf32>
          %swap3A_159 = arith.index_cast %scan3A_81 : i32 to index
          %swap3A_160 = arith.constant 80 : index
          %swap3A_161 = tpu.vector_load %arg9[%swap3A_159, %swap3A_160] {strides = array<i32>} : memref<80x128xf32, #tpu.memory_space<vmem>>, vector<1x16xf32>,
          %swap3A_162 = vector.shape_cast %swap3A_161 : vector<1x16xf32> to vector<16xf32>
          %swap3A_163 = vector.shape_cast %mul3A_158 : vector<16xf32> to vector<1x16xf32>
          tpu.vector_store %arg9[%swap3A_159, %swap3A_160], %swap3A_163 {strides = array<i32>} : memref<80x128xf32, #tpu.memory_space<vmem>>, vector<1x16xf32>,
          %get3A_164 = arith.index_cast %scan3A_81 : i32 to index
          %get3A_165 = arith.constant 96 : index
          %get3A_166 = tpu.vector_load %arg9[%get3A_164, %get3A_165] {strides = array<i32>} : memref<80x128xf32, #tpu.memory_space<vmem>>, vector<1x16xf32>,
          %get3A_167 = vector.shape_cast %get3A_166 : vector<1x16xf32> to vector<16xf32>
          %get3A_168 = arith.index_cast %scan3A_81 : i32 to index
          %get3A_169 = arith.constant 96 : index
          %get3A_170 = tpu.vector_load %arg10[%get3A_168, %get3A_169] {strides = array<i32>} : memref<80x128xf32, #tpu.memory_space<vmem>>, vector<1x16xf32>,
          %get3A_171 = vector.shape_cast %get3A_170 : vector<1x16xf32> to vector<16xf32>
          %mul3A_172 = arith.mulf %get3A_167, %get3A_171 : vector<16xf32>
          %swap3A_173 = arith.index_cast %scan3A_81 : i32 to index
          %swap3A_174 = arith.constant 96 : index
          %swap3A_175 = tpu.vector_load %arg9[%swap3A_173, %swap3A_174] {strides = array<i32>} : memref<80x128xf32, #tpu.memory_space<vmem>>, vector<1x16xf32>,
          %swap3A_176 = vector.shape_cast %swap3A_175 : vector<1x16xf32> to vector<16xf32>
          %swap3A_177 = vector.shape_cast %mul3A_172 : vector<16xf32> to vector<1x16xf32>
          tpu.vector_store %arg9[%swap3A_173, %swap3A_174], %swap3A_177 {strides = array<i32>} : memref<80x128xf32, #tpu.memory_space<vmem>>, vector<1x16xf32>,
          %get3A_178 = arith.index_cast %scan3A_81 : i32 to index
          %get3A_179 = arith.constant 112 : index
          %get3A_180 = tpu.vector_load %arg9[%get3A_178, %get3A_179] {strides = array<i32>} : memref<80x128xf32, #tpu.memory_space<vmem>>, vector<1x16xf32>,
          %get3A_181 = vector.shape_cast %get3A_180 : vector<1x16xf32> to vector<16xf32>
          %get3A_182 = arith.index_cast %scan3A_81 : i32 to index
          %get3A_183 = arith.constant 112 : index
          %get3A_184 = tpu.vector_load %arg10[%get3A_182, %get3A_183] {strides = array<i32>} : memref<80x128xf32, #tpu.memory_space<vmem>>, vector<1x16xf32>,
          %get3A_185 = vector.shape_cast %get3A_184 : vector<1x16xf32> to vector<16xf32>
          %mul3A_186 = arith.mulf %get3A_181, %get3A_185 : vector<16xf32>
          %swap3A_187 = arith.index_cast %scan3A_81 : i32 to index
          %swap3A_188 = arith.constant 112 : index
          %swap3A_189 = tpu.vector_load %arg9[%swap3A_187, %swap3A_188] {strides = array<i32>} : memref<80x128xf32, #tpu.memory_space<vmem>>, vector<1x16xf32>,
          %swap3A_190 = vector.shape_cast %swap3A_189 : vector<1x16xf32> to vector<16xf32>
          %swap3A_191 = vector.shape_cast %mul3A_186 : vector<16xf32> to vector<1x16xf32>
          tpu.vector_store %arg9[%swap3A_187, %swap3A_188], %swap3A_191 {strides = array<i32>} : memref<80x128xf32, #tpu.memory_space<vmem>>, vector<1x16xf32>,
        }
        %scan3A_80 = arith.constant 80 : i32
        "tpu.region"() ({
          %run_scoped3A = tpu.sem_alloc : memref<!tpu.dma_semaphore, #tpu.memory_space<semaphore_mem>>
          %dma_start3A_81 = arith.constant 0 : i32
          %dma_start3A_82 = tpu.memref_slice %arg8[%scan3A_58, %dma_start3A_81] : memref<25x80xi32, #tpu.memory_space<vmem>> -> memref<1x80xi32, #tpu.memory_space<vmem>>
          %dma_start3A_83 = tpu.memref_squeeze %dma_start3A_82 : memref<1x80xi32, #tpu.memory_space<vmem>> -> memref<80xi32, #tpu.memory_space<vmem>>
          %dma_start3A_84 = arith.constant 0 : i32
          %dma_start3A_85 = arith.constant 0 : i32
          %dma_start3A_86 = tpu.memref_slice %arg11[%dma_start3A_84, %dma_start3A_85] : memref<10240x128xf32, #tpu.memory_space<vmem_shared>> -> memref<10240x128xf32, #tpu.memory_space<vmem_shared>>
          tpu.enqueue_indirect_dma source(%arg9 : memref<80x128xf32, #tpu.memory_space<vmem>>) target(%dma_start3A_86 : memref<10240x128xf32, #tpu.memory_space<vmem_shared>>) offsets(%dma_start3A_83 : memref<80xi32, #tpu.memory_space<vmem>>) semaphore(%run_scoped3A : memref<!tpu.dma_semaphore, #tpu.memory_space<semaphore_mem>>) {add = true}
          %dma_wait3A_87 = arith.constant 0 : i32
          %dma_wait3A_88 = tpu.memref_slice %arg8[%scan3A_58, %dma_wait3A_87] : memref<25x80xi32, #tpu.memory_space<vmem>> -> memref<1x80xi32, #tpu.memory_space<vmem>>
          %dma_wait3A_89 = tpu.memref_squeeze %dma_wait3A_88 : memref<1x80xi32, #tpu.memory_space<vmem>> -> memref<80xi32, #tpu.memory_space<vmem>>
          %dma_wait3A_90 = arith.constant 0 : i32
          %dma_wait3A_91 = arith.constant 0 : i32
          %dma_wait3A_92 = tpu.memref_slice %arg11[%dma_wait3A_90, %dma_wait3A_91] : memref<10240x128xf32, #tpu.memory_space<vmem_shared>> -> memref<10240x128xf32, #tpu.memory_space<vmem_shared>>
          tpu.wait_indirect_dma semaphore(%run_scoped3A : memref<!tpu.dma_semaphore, #tpu.memory_space<semaphore_mem>>) src(%arg9 : memref<80x128xf32, #tpu.memory_space<vmem>>) dst(%dma_wait3A_92 : memref<10240x128xf32, #tpu.memory_space<vmem_shared>>)
          tpu.yield
        }) : () -> ()
      }
      %scan3A_57 = arith.constant 25 : i32
    }
    %scan3A_45 = arith.constant 5 : i32
    %barrier3A_46 = arith.constant 0 : index
    tpu.barrier barrier_id(%barrier3A_46)
    %mul3A_47 = arith.constant 640 : i32
    %mul3A_48 = arith.muli %arg1, %mul3A_47 : i32
    %mul3A_49 = arith.constant 640 : i32
    %mul3A_50 = arith.muli %arg1, %mul3A_49 : i32
    "tpu.region"() ({
      %run_scoped3A = tpu.sem_alloc : memref<!tpu.dma_semaphore, #tpu.memory_space<semaphore_mem>>
      %dma_start3A = arith.constant 0 : i32
      %dma_start3A_51 = tpu.memref_slice %arg6[%arg0, %mul3A_50, %dma_start3A] : memref<2x10240x128xf32, #tpu.memory_space<hbm>> -> memref<1x640x128xf32, #tpu.memory_space<hbm>>
      %dma_start3A_52 = tpu.memref_squeeze %dma_start3A_51 : memref<1x640x128xf32, #tpu.memory_space<hbm>> -> memref<640x128xf32, #tpu.memory_space<hbm>>
      %dma_start3A_53 = arith.constant 0 : i32
      %dma_start3A_54 = tpu.memref_slice %arg11[%mul3A_48, %dma_start3A_53] : memref<10240x128xf32, #tpu.memory_space<vmem_shared>> -> memref<640x128xf32, #tpu.memory_space<vmem_shared>>
      tpu.enqueue_dma source(%dma_start3A_54 : memref<640x128xf32, #tpu.memory_space<vmem_shared>>) target(%dma_start3A_52 : memref<640x128xf32, #tpu.memory_space<hbm>>) target_semaphore(%run_scoped3A : memref<!tpu.dma_semaphore, #tpu.memory_space<semaphore_mem>>)
      %dma_wait3A = arith.constant 0 : i32
      %dma_wait3A_55 = tpu.memref_slice %arg6[%arg0, %mul3A_50, %dma_wait3A] : memref<2x10240x128xf32, #tpu.memory_space<hbm>> -> memref<1x640x128xf32, #tpu.memory_space<hbm>>
      %dma_wait3A_56 = tpu.memref_squeeze %dma_wait3A_55 : memref<1x640x128xf32, #tpu.memory_space<hbm>> -> memref<640x128xf32, #tpu.memory_space<hbm>>
      %dma_wait3A_57 = arith.constant 0 : i32
      %dma_wait3A_58 = tpu.memref_slice %arg11[%mul3A_48, %dma_wait3A_57] : memref<10240x128xf32, #tpu.memory_space<vmem_shared>> -> memref<640x128xf32, #tpu.memory_space<vmem_shared>>
      tpu.wait_dma2 semaphore(%run_scoped3A : memref<!tpu.dma_semaphore, #tpu.memory_space<semaphore_mem>>) src(%dma_wait3A_58 : memref<640x128xf32, #tpu.memory_space<vmem_shared>>) dst(%dma_wait3A_56 : memref<640x128xf32, #tpu.memory_space<hbm>>)
      tpu.yield
    }) : () -> ()
    return
  }
}

module attributes {stable_mosaic.version = 14 : i64} {
  func.func @_h_body(%arg0: i32, %arg1: memref<2000x128xf32, #tpu.memory_space<vmem>>, %arg2: memref<128x128xf32, #tpu.memory_space<vmem>>, %arg3: memref<1x128xf32, #tpu.memory_space<vmem>>, %arg4: memref<2000x128xf32, #tpu.memory_space<vmem>>) attributes {dimension_semantics = [#tpu.dimension_semantics<arbitrary>], iteration_bounds = array<i64: 5>, scalar_prefetch = 0 : i64, scratch_operands = 0 : i64, tpu.core_type = #tpu.core_type<tc>, window_params = [{transform_indices = @transform_0, window_bounds = array<i64: 2000, 128>}, {pipeline_mode = #tpu.pipeline_mode<synchronous>, transform_indices = @transform_1, window_bounds = array<i64: 128, 128>}, {pipeline_mode = #tpu.pipeline_mode<synchronous>, transform_indices = @transform_2, window_bounds = array<i64: 1, 128>}, {transform_indices = @transform_3, window_bounds = array<i64: 2000, 128>}]} {
    %get3A = arith.constant 0 : index
    %get3A_0 = arith.constant 0 : index
    %get3A_1 = vector.load %arg1[%get3A, %get3A_0] : memref<2000x128xf32, #tpu.memory_space<vmem>>, vector<2000x128xf32>
    %get3A_2 = arith.constant 0 : index
    %get3A_3 = arith.constant 0 : index
    %get3A_4 = vector.load %arg2[%get3A_2, %get3A_3] : memref<128x128xf32, #tpu.memory_space<vmem>>, vector<128x128xf32>
    %dot_general3A = arith.constant dense<0.000000e+00> : vector<2000x128xf32>
    %dot_general3A_5 = tpu.matmul %get3A_1, %get3A_4, %dot_general3A {dimension_numbers = #tpu.dot_dimension_numbers<[1], [0], [0], [1], [0, 0, 1, 1], [], []>, transpose_lhs_hint = false} : vector<2000x128xf32>, vector<128x128xf32>, vector<2000x128xf32> -> vector<2000x128xf32>
    %get3A_6 = arith.constant 0 : index
    %get3A_7 = arith.constant 0 : index
    %get3A_8 = vector.load %arg3[%get3A_6, %get3A_7] : memref<1x128xf32, #tpu.memory_space<vmem>>, vector<1x128xf32>
    %add3A = vector.broadcast %get3A_8 : vector<1x128xf32> to vector<2000x128xf32>
    %add3A_9 = arith.addf %dot_general3A_5, %add3A : vector<2000x128xf32>
    %swap3A = arith.constant 0 : index
    %swap3A_10 = arith.constant 0 : index
    %swap3A_11 = vector.load %arg4[%swap3A, %swap3A_10] : memref<2000x128xf32, #tpu.memory_space<vmem>>, vector<2000x128xf32>
    tpu.vector_store %arg4[%swap3A, %swap3A_10], %add3A_9 {strides = array<i32>} : memref<2000x128xf32, #tpu.memory_space<vmem>>, vector<2000x128xf32>,
    return
  }
  func.func @transform_0(%arg0: i32) -> (i32, i32) {
    %c0_i32 = arith.constant 0 : i32
    %c0_i32_0 = arith.constant 0 : i32
    return %arg0, %c0_i32 : i32, i32
  }
  func.func @transform_1(%arg0: i32) -> (i32, i32) {
    %c0_i32 = arith.constant 0 : i32
    %c0_i32_0 = arith.constant 0 : i32
    %c0_i32_1 = arith.constant 0 : i32
    return %c0_i32, %c0_i32_0 : i32, i32
  }
  func.func @transform_2(%arg0: i32) -> (i32, i32) {
    %c0_i32 = arith.constant 0 : i32
    %c0_i32_0 = arith.constant 0 : i32
    %c0_i32_1 = arith.constant 0 : i32
    return %c0_i32, %c0_i32_0 : i32, i32
  }
  func.func @transform_3(%arg0: i32) -> (i32, i32) {
    %c0_i32 = arith.constant 0 : i32
    %c0_i32_0 = arith.constant 0 : i32
    return %arg0, %c0_i32 : i32, i32
  }
}

module attributes {stable_mosaic.version = 14 : i64} {
  func.func @_wij_body(%arg0: i32, %arg1: memref<2000x16xf32, #tpu.memory_space<vmem>>, %arg2: memref<2000x1xf32, #tpu.memory_space<vmem>>, %arg3: memref<16x128xf32, #tpu.memory_space<vmem>>, %arg4: memref<1x128xf32, #tpu.memory_space<vmem>>, %arg5: memref<128x128xf32, #tpu.memory_space<vmem>>, %arg6: memref<1x128xf32, #tpu.memory_space<vmem>>, %arg7: memref<2000x128xf32, #tpu.memory_space<vmem>>) attributes {dimension_semantics = [#tpu.dimension_semantics<arbitrary>], iteration_bounds = array<i64: 160>, scalar_prefetch = 0 : i64, scratch_operands = 0 : i64, tpu.core_type = #tpu.core_type<tc>, window_params = [{transform_indices = @transform_0, window_bounds = array<i64: 2000, 16>}, {transform_indices = @transform_1, window_bounds = array<i64: 2000, 1>}, {pipeline_mode = #tpu.pipeline_mode<synchronous>, transform_indices = @transform_2, window_bounds = array<i64: 16, 128>}, {pipeline_mode = #tpu.pipeline_mode<synchronous>, transform_indices = @transform_3, window_bounds = array<i64: 1, 128>}, {pipeline_mode = #tpu.pipeline_mode<synchronous>, transform_indices = @transform_4, window_bounds = array<i64: 128, 128>}, {pipeline_mode = #tpu.pipeline_mode<synchronous>, transform_indices = @transform_5, window_bounds = array<i64: 1, 128>}, {transform_indices = @transform_6, window_bounds = array<i64: 2000, 128>}]} {
    %get3A = arith.constant 0 : index
    %get3A_0 = arith.constant 0 : index
    %get3A_1 = vector.load %arg1[%get3A, %get3A_0] : memref<2000x16xf32, #tpu.memory_space<vmem>>, vector<2000x16xf32>
    %get3A_2 = arith.constant 0 : index
    %get3A_3 = arith.constant 0 : index
    %get3A_4 = vector.load %arg3[%get3A_2, %get3A_3] : memref<16x128xf32, #tpu.memory_space<vmem>>, vector<16x128xf32>
    %dot_general3A = arith.constant dense<0.000000e+00> : vector<2000x128xf32>
    %dot_general3A_5 = tpu.matmul %get3A_1, %get3A_4, %dot_general3A {dimension_numbers = #tpu.dot_dimension_numbers<[1], [0], [0], [1], [0, 0, 1, 1], [], []>, transpose_lhs_hint = false} : vector<2000x16xf32>, vector<16x128xf32>, vector<2000x128xf32> -> vector<2000x128xf32>
    %get3A_6 = arith.constant 0 : index
    %get3A_7 = arith.constant 0 : index
    %get3A_8 = vector.load %arg4[%get3A_6, %get3A_7] : memref<1x128xf32, #tpu.memory_space<vmem>>, vector<1x128xf32>
    %add3A = vector.broadcast %get3A_8 : vector<1x128xf32> to vector<2000x128xf32>
    %add3A_9 = arith.addf %dot_general3A_5, %add3A : vector<2000x128xf32>
    %custom_jvp_call3A = arith.constant 0.000000e+00 : f32
    %max3A = vector.broadcast %custom_jvp_call3A : f32 to vector<2000x128xf32>
    %max3A_10 = arith.maximumf %add3A_9, %max3A : vector<2000x128xf32>
    %sub3A = vector.broadcast %custom_jvp_call3A : f32 to vector<2000x128xf32>
    %sub3A_11 = arith.subf %add3A_9, %sub3A : vector<2000x128xf32>
    %ne3A = arith.cmpf one, %sub3A_11, %sub3A_11 : vector<2000x128xf32>
    %add3A_12 = vector.broadcast %custom_jvp_call3A : f32 to vector<2000x128xf32>
    %add3A_13 = arith.addf %add3A_9, %add3A_12 : vector<2000x128xf32>
    %abs3A = math.absf %sub3A_11 : vector<2000x128xf32>
    %neg3A = arith.constant 0.000000e+00 : f32
    %neg3A_14 = vector.broadcast %neg3A : f32 to vector<2000x128xf32>
    %neg3A_15 = arith.subf %neg3A_14, %abs3A : vector<2000x128xf32>
    %exp3A = math.exp %neg3A_15 : vector<2000x128xf32>
    %log1p3A = math.log1p %exp3A : vector<2000x128xf32>
    %add3A_16 = arith.addf %max3A_10, %log1p3A : vector<2000x128xf32>
    %select_n3A = arith.select %ne3A, %add3A_13, %add3A_16 : vector<2000x128xi1>, vector<2000x128xf32>
    %log3A = arith.constant 2.000000e+00 : f32
    %log3A_17 = math.log %log3A : f32
    %sub3A_18 = vector.broadcast %log3A_17 : f32 to vector<2000x128xf32>
    %sub3A_19 = arith.subf %select_n3A, %sub3A_18 : vector<2000x128xf32>
    %get3A_20 = arith.constant 0 : index
    %get3A_21 = arith.constant 0 : index
    %get3A_22 = vector.load %arg5[%get3A_20, %get3A_21] : memref<128x128xf32, #tpu.memory_space<vmem>>, vector<128x128xf32>
    %dot_general3A_23 = arith.constant dense<0.000000e+00> : vector<2000x128xf32>
    %dot_general3A_24 = tpu.matmul %sub3A_19, %get3A_22, %dot_general3A_23 {dimension_numbers = #tpu.dot_dimension_numbers<[1], [0], [0], [1], [0, 0, 1, 1], [], []>, transpose_lhs_hint = false} : vector<2000x128xf32>, vector<128x128xf32>, vector<2000x128xf32> -> vector<2000x128xf32>
    %get3A_25 = arith.constant 0 : index
    %get3A_26 = arith.constant 0 : index
    %get3A_27 = vector.load %arg6[%get3A_25, %get3A_26] : memref<1x128xf32, #tpu.memory_space<vmem>>, vector<1x128xf32>
    %add3A_28 = vector.broadcast %get3A_27 : vector<1x128xf32> to vector<2000x128xf32>
    %add3A_29 = arith.addf %dot_general3A_24, %add3A_28 : vector<2000x128xf32>
    %get3A_30 = arith.constant 0 : index
    %get3A_31 = arith.constant 0 : index
    %get3A_32 = vector.load %arg2[%get3A_30, %get3A_31] : memref<2000x1xf32, #tpu.memory_space<vmem>>, vector<2000x1xf32>
    %mul3A = vector.broadcast %get3A_32 : vector<2000x1xf32> to vector<2000x128xf32>
    %mul3A_33 = arith.mulf %add3A_29, %mul3A : vector<2000x128xf32>
    %swap3A = arith.constant 0 : index
    %swap3A_34 = arith.constant 0 : index
    %swap3A_35 = vector.load %arg7[%swap3A, %swap3A_34] : memref<2000x128xf32, #tpu.memory_space<vmem>>, vector<2000x128xf32>
    tpu.vector_store %arg7[%swap3A, %swap3A_34], %mul3A_33 {strides = array<i32>} : memref<2000x128xf32, #tpu.memory_space<vmem>>, vector<2000x128xf32>,
    return
  }
  func.func @transform_0(%arg0: i32) -> (i32, i32) {
    %c0_i32 = arith.constant 0 : i32
    %c0_i32_0 = arith.constant 0 : i32
    return %arg0, %c0_i32 : i32, i32
  }
  func.func @transform_1(%arg0: i32) -> (i32, i32) {
    %c0_i32 = arith.constant 0 : i32
    %c0_i32_0 = arith.constant 0 : i32
    return %arg0, %c0_i32 : i32, i32
  }
  func.func @transform_2(%arg0: i32) -> (i32, i32) {
    %c0_i32 = arith.constant 0 : i32
    %c0_i32_0 = arith.constant 0 : i32
    %c0_i32_1 = arith.constant 0 : i32
    return %c0_i32, %c0_i32_0 : i32, i32
  }
  func.func @transform_3(%arg0: i32) -> (i32, i32) {
    %c0_i32 = arith.constant 0 : i32
    %c0_i32_0 = arith.constant 0 : i32
    %c0_i32_1 = arith.constant 0 : i32
    return %c0_i32, %c0_i32_0 : i32, i32
  }
  func.func @transform_4(%arg0: i32) -> (i32, i32) {
    %c0_i32 = arith.constant 0 : i32
    %c0_i32_0 = arith.constant 0 : i32
    %c0_i32_1 = arith.constant 0 : i32
    return %c0_i32, %c0_i32_0 : i32, i32
  }
  func.func @transform_5(%arg0: i32) -> (i32, i32) {
    %c0_i32 = arith.constant 0 : i32
    %c0_i32_0 = arith.constant 0 : i32
    %c0_i32_1 = arith.constant 0 : i32
    return %c0_i32, %c0_i32_0 : i32, i32
  }
  func.func @transform_6(%arg0: i32) -> (i32, i32) {
    %c0_i32 = arith.constant 0 : i32
    %c0_i32_0 = arith.constant 0 : i32
    return %arg0, %c0_i32 : i32, i32
  }
}

module attributes {stable_mosaic.version = 14 : i64} {
  func.func @_out_body(%arg0: i32, %arg1: memref<2x2000x128xf32, #tpu.memory_space<vmem>>, %arg2: memref<128x128xf32, #tpu.memory_space<vmem>>, %arg3: memref<1x128xf32, #tpu.memory_space<vmem>>, %arg4: memref<128x128xf32, #tpu.memory_space<vmem>>, %arg5: memref<1x128xf32, #tpu.memory_space<vmem>>, %arg6: memref<2000x128xf32, #tpu.memory_space<vmem>>) attributes {dimension_semantics = [#tpu.dimension_semantics<arbitrary>], iteration_bounds = array<i64: 5>, scalar_prefetch = 0 : i64, scratch_operands = 0 : i64, tpu.core_type = #tpu.core_type<tc>, window_params = [{transform_indices = @transform_0, window_bounds = array<i64: 2, 2000, 128>}, {pipeline_mode = #tpu.pipeline_mode<synchronous>, transform_indices = @transform_1, window_bounds = array<i64: 128, 128>}, {pipeline_mode = #tpu.pipeline_mode<synchronous>, transform_indices = @transform_2, window_bounds = array<i64: 1, 128>}, {pipeline_mode = #tpu.pipeline_mode<synchronous>, transform_indices = @transform_3, window_bounds = array<i64: 128, 128>}, {pipeline_mode = #tpu.pipeline_mode<synchronous>, transform_indices = @transform_4, window_bounds = array<i64: 1, 128>}, {transform_indices = @transform_5, window_bounds = array<i64: 2000, 128>}]} {
    %get3A = arith.constant 0 : index
    %get3A_0 = arith.constant 0 : index
    %get3A_1 = arith.constant 0 : index
    %get3A_2 = vector.load %arg1[%get3A, %get3A_0, %get3A_1] : memref<2x2000x128xf32, #tpu.memory_space<vmem>>, vector<1x2000x128xf32>
    %get3A_3 = vector.shape_cast %get3A_2 : vector<1x2000x128xf32> to vector<2000x128xf32>
    %get3A_4 = arith.constant 1 : index
    %get3A_5 = arith.constant 0 : index
    %get3A_6 = arith.constant 0 : index
    %get3A_7 = vector.load %arg1[%get3A_4, %get3A_5, %get3A_6] : memref<2x2000x128xf32, #tpu.memory_space<vmem>>, vector<1x2000x128xf32>
    %get3A_8 = vector.shape_cast %get3A_7 : vector<1x2000x128xf32> to vector<2000x128xf32>
    %add3A = arith.addf %get3A_3, %get3A_8 : vector<2000x128xf32>
    %get3A_9 = arith.constant 0 : index
    %get3A_10 = arith.constant 0 : index
    %get3A_11 = vector.load %arg2[%get3A_9, %get3A_10] : memref<128x128xf32, #tpu.memory_space<vmem>>, vector<128x128xf32>
    %dot_general3A = arith.constant dense<0.000000e+00> : vector<2000x128xf32>
    %dot_general3A_12 = tpu.matmul %add3A, %get3A_11, %dot_general3A {dimension_numbers = #tpu.dot_dimension_numbers<[1], [0], [0], [1], [0, 0, 1, 1], [], []>, transpose_lhs_hint = false} : vector<2000x128xf32>, vector<128x128xf32>, vector<2000x128xf32> -> vector<2000x128xf32>
    %get3A_13 = arith.constant 0 : index
    %get3A_14 = arith.constant 0 : index
    %get3A_15 = vector.load %arg3[%get3A_13, %get3A_14] : memref<1x128xf32, #tpu.memory_space<vmem>>, vector<1x128xf32>
    %add3A_16 = vector.broadcast %get3A_15 : vector<1x128xf32> to vector<2000x128xf32>
    %add3A_17 = arith.addf %dot_general3A_12, %add3A_16 : vector<2000x128xf32>
    %custom_jvp_call3A = arith.constant 0.000000e+00 : f32
    %max3A = vector.broadcast %custom_jvp_call3A : f32 to vector<2000x128xf32>
    %max3A_18 = arith.maximumf %add3A_17, %max3A : vector<2000x128xf32>
    %sub3A = vector.broadcast %custom_jvp_call3A : f32 to vector<2000x128xf32>
    %sub3A_19 = arith.subf %add3A_17, %sub3A : vector<2000x128xf32>
    %ne3A = arith.cmpf one, %sub3A_19, %sub3A_19 : vector<2000x128xf32>
    %add3A_20 = vector.broadcast %custom_jvp_call3A : f32 to vector<2000x128xf32>
    %add3A_21 = arith.addf %add3A_17, %add3A_20 : vector<2000x128xf32>
    %abs3A = math.absf %sub3A_19 : vector<2000x128xf32>
    %neg3A = arith.constant 0.000000e+00 : f32
    %neg3A_22 = vector.broadcast %neg3A : f32 to vector<2000x128xf32>
    %neg3A_23 = arith.subf %neg3A_22, %abs3A : vector<2000x128xf32>
    %exp3A = math.exp %neg3A_23 : vector<2000x128xf32>
    %log1p3A = math.log1p %exp3A : vector<2000x128xf32>
    %add3A_24 = arith.addf %max3A_18, %log1p3A : vector<2000x128xf32>
    %select_n3A = arith.select %ne3A, %add3A_21, %add3A_24 : vector<2000x128xi1>, vector<2000x128xf32>
    %log3A = arith.constant 2.000000e+00 : f32
    %log3A_25 = math.log %log3A : f32
    %sub3A_26 = vector.broadcast %log3A_25 : f32 to vector<2000x128xf32>
    %sub3A_27 = arith.subf %select_n3A, %sub3A_26 : vector<2000x128xf32>
    %get3A_28 = arith.constant 0 : index
    %get3A_29 = arith.constant 0 : index
    %get3A_30 = vector.load %arg4[%get3A_28, %get3A_29] : memref<128x128xf32, #tpu.memory_space<vmem>>, vector<128x128xf32>
    %dot_general3A_31 = arith.constant dense<0.000000e+00> : vector<2000x128xf32>
    %dot_general3A_32 = tpu.matmul %sub3A_27, %get3A_30, %dot_general3A_31 {dimension_numbers = #tpu.dot_dimension_numbers<[1], [0], [0], [1], [0, 0, 1, 1], [], []>, transpose_lhs_hint = false} : vector<2000x128xf32>, vector<128x128xf32>, vector<2000x128xf32> -> vector<2000x128xf32>
    %get3A_33 = arith.constant 0 : index
    %get3A_34 = arith.constant 0 : index
    %get3A_35 = vector.load %arg5[%get3A_33, %get3A_34] : memref<1x128xf32, #tpu.memory_space<vmem>>, vector<1x128xf32>
    %add3A_36 = vector.broadcast %get3A_35 : vector<1x128xf32> to vector<2000x128xf32>
    %add3A_37 = arith.addf %dot_general3A_32, %add3A_36 : vector<2000x128xf32>
    %swap3A = arith.constant 0 : index
    %swap3A_38 = arith.constant 0 : index
    %swap3A_39 = vector.load %arg6[%swap3A, %swap3A_38] : memref<2000x128xf32, #tpu.memory_space<vmem>>, vector<2000x128xf32>
    tpu.vector_store %arg6[%swap3A, %swap3A_38], %add3A_37 {strides = array<i32>} : memref<2000x128xf32, #tpu.memory_space<vmem>>, vector<2000x128xf32>,
    return
  }
  func.func @transform_0(%arg0: i32) -> (i32, i32, i32) {
    %c0_i32 = arith.constant 0 : i32
    %c0_i32_0 = arith.constant 0 : i32
    %c0_i32_1 = arith.constant 0 : i32
    return %c0_i32, %arg0, %c0_i32_0 : i32, i32, i32
  }
  func.func @transform_1(%arg0: i32) -> (i32, i32) {
    %c0_i32 = arith.constant 0 : i32
    %c0_i32_0 = arith.constant 0 : i32
    %c0_i32_1 = arith.constant 0 : i32
    return %c0_i32, %c0_i32_0 : i32, i32
  }
  func.func @transform_2(%arg0: i32) -> (i32, i32) {
    %c0_i32 = arith.constant 0 : i32
    %c0_i32_0 = arith.constant 0 : i32
    %c0_i32_1 = arith.constant 0 : i32
    return %c0_i32, %c0_i32_0 : i32, i32
  }
  func.func @transform_3(%arg0: i32) -> (i32, i32) {
    %c0_i32 = arith.constant 0 : i32
    %c0_i32_0 = arith.constant 0 : i32
    %c0_i32_1 = arith.constant 0 : i32
    return %c0_i32, %c0_i32_0 : i32, i32
  }
  func.func @transform_4(%arg0: i32) -> (i32, i32) {
    %c0_i32 = arith.constant 0 : i32
    %c0_i32_0 = arith.constant 0 : i32
    %c0_i32_1 = arith.constant 0 : i32
    return %c0_i32, %c0_i32_0 : i32, i32
  }
  func.func @transform_5(%arg0: i32) -> (i32, i32) {
    %c0_i32 = arith.constant 0 : i32
    %c0_i32_0 = arith.constant 0 : i32
    return %arg0, %c0_i32 : i32, i32
  }
}

</mosaic_0001>

<sc_bundles>
// kernel: kernel.6.cloned.1.call-start
scs
__scs_entry_jumppad:
0x0: {  	(pc) =	sbr.rel $0x88, $3  }
0x1: {  	(tag) =	ssettag $0x0;
	lr =	simm.s32 $0x1  }
0x2: {  	[smem:$0x3F93] =	sst lr;
	_ =	strace $0xD0000000  }
0x3: {  	_ = 	snop  }
0x4: {  	_ = 	snop  }
0x5: {  	_ = 	snop  }
0x6: {  	_ = 	snop  }
0x7: {  	_ = 	snop  }
__scs_overlays_trampoline_lowered:
0x8: {  	[smem:$0x3FA2] =	sst s0  }
0x9: {  	[smem:$0x3FA3] =	sst s1  }
0xa: {  	[smem:$0x3FA4] =	sst s2  }
0xb: {  	[smem:$0x3FA5] =	sst s3  }
0xc: {  	[smem:$0x3FA6] =	sst s4  }
0xd: {  	[smem:$0x3FA7] =	sst s5  }
0xe: {  	[smem:$0x3FA8] =	sst s6  }
0xf: {  	[smem:$0x3FA9] =	sst s7  }
0x10: {  	[smem:$0x3FAA] =	sst s8  }
0x11: {  	[smem:$0x3FAB] =	sst s9;
	s0 =	simm.s32 @!p0 $0x0  }
0x12: {  	s1 =	sld [smem:$0x3F91];
	s0 =	simm.s32 @p0 $0x1  }
0x13: {  	[smem:$0x3FAC] =	sst s0;
	s0 =	simm.s32 @!p1 $0x0  }
0x14: {  	s2 =	sld [smem:$0x3F90];
	s0 =	simm.s32 @p1 $0x1  }
0x15: {  	[smem:$0x3FAD] =	sst s0;
	s0 =	simm.s32 @!p2 $0x0  }
0x16: {  	s3 =	sld [smem:$0x3FDB];
	s0 =	simm.s32 @p2 $0x1  }
0x17: {  	s4 =	simm.s32 $0x1BF5;
	[smem:$0x3FAF] =	sst s0  }
0x18: {  	s0 =	sld [smem:$0x3F92];
	_ =	swait.ge [sflag:s4], $0x0  }
0x19: {  	s7 =	sld [smem:$0x3F93]  }
0x1a: {  	s8 =	sadd.s32 $0xFFFFE003, lr  }
0x1b: {  	s9 =	sadd.s32 $0xFFFFFEF7, lr;
	s5 =	simm.s32 $0xFFFFFFFF;
	p2 =	slt.u32 s8, $0xFFFFF086  }
0x1c: {  	p1 =	slt.u32 s9, $0xF7A;
	s5 =	simm.s32 @!p2 $0x0  }
0x1d: {  	s5 =	simm.s32 @p1 $0x1;
	p0 =	seq.s32 s7, s2  }
0x1e: {  	s7 =	smul.u32 @!p0 $0xF7A, s2;
	p2 =	seq.s32 @!p0 s5, $0x0  }
0x1f: {  	s9 =	smul.u32 $0xF7A, s1;
	s8 =	simm.s32 @!p0 $0x1BF5;
	p2 =	por !p2, p0  }
0x20: {  	[sflag:s8] =	ssyncset.s32 @!p0 $0xFFFFF086;
	s6 =	sadd.s32 @!p0 s3, s7;
	s7 =	simm.s32 @!p0 $0x108  }
0x21: {  	s3 =	sadd.s32 s3, s9;
	s6 =	sadd.s32 @!p0 $0x88, s6;
	s7 =	simm.s32 @p2 $0x1082  }
0x22: {  	[simem:s7], [sflag:s8] =	dma.local @!p0 [hbm:s6], $0xF7A  }
0x23: {  	s9 =	sor.u32 $0xD0000000, s2;
	s6 =	simm.s32 $0x108;
	_ =	swait.ge @!p0 [sflag:s8], $0x0  }
0x24: {  	s3 =	sadd.s32 $0x88, s3;
	s6 =	simm.s32 @!p1 $0x1082;
	[sflag:s4] =	ssyncset.s32 $0xFFFFF086  }
0x25: {  	[simem:s6], [sflag:s4] =	dma.local [hbm:s3], $0xF7A  }
0x26: {  	[smem:$0x3F93] =	sst s1;
	(tag) =	ssettag s2;
	_ =	strace s9  }
0x27: {  	s1 =	sld [smem:$0x3FA3]  }
0x28: {  	s2 =	sld [smem:$0x3FA4]  }
0x29: {  	s4 =	sld [smem:$0x3FA6]  }
0x2a: {  	p0 =	seq.s32 s5, $0x0;
	s5 =	sld [smem:$0x3FA7]  }
0x2b: {  	s6 =	sld [smem:$0x3FA8]  }
0x2c: {  	s7 =	sld [smem:$0x3FA9]  }
0x2d: {  	s3 =	simm.s32 $0x108;
	s8 =	sld [smem:$0x3FAA]  }
0x2e: {  	s3 =	simm.s32 @!p0 $0x1082;
	s9 =	sld [smem:$0x3FAB]  }
0x2f: {  	lr =	sadd.s32 s0, s3;
	s0 =	sld [smem:$0x3FA2]  }
0x30: {  	s3 =	sld [smem:$0x3FA5]  }
0x31: {  	[smem:$0x3FAE] =	sst s10  }
0x32: {  	s10 =	sld [smem:$0x3FAC];
	_ =	sdelay $0x3  }
0x33: {  	p0 =	seq.s32 s10, $0x1;
	s10 =	sld [smem:$0x3FAE];
	_ =	sdelay $0x3  }
0x34: {  	[smem:$0x3FAE] =	sst s10  }
0x35: {  	s10 =	sld [smem:$0x3FAD];
	_ =	sdelay $0x3  }
0x36: {  	p1 =	seq.s32 s10, $0x1;
	s10 =	sld [smem:$0x3FAE];
	_ =	sdelay $0x3  }
0x37: {  	[smem:$0x3FAE] =	sst s10  }
0x38: {  	s10 =	sld [smem:$0x3FAF]  }
0x39: {  	_ = 	snop;
	(pc) =	sbr.ind lr, $3  }
0x3a: {  	_ = 	snop  }
0x3b: {  	_ = 	snop  }
0x3c: {  	p2 =	seq.s32 s10, $0x1;
	s10 =	sld [smem:$0x3FAE]  }
0x3d: {  	_ =	shalt  }
0x3e: {  	_ =	shalt  }
0x3f: {  	_ =	shalt  }
0x40: {  	_ =	shalt  }
0x41: {  	_ =	shalt  }
0x42: {  	_ =	shalt  }
0x43: {  	_ =	shalt  }
0x44: {  	_ =	shalt  }
0x45: {  	_ =	shalt  }
0x46: {  	_ =	shalt  }
0x47: {  	_ =	shalt  }
0x48: {  	_ =	shalt  }
0x49: {  	_ =	shalt  }
0x4a: {  	_ =	shalt  }
0x4b: {  	_ =	shalt  }
0x4c: {  	_ =	shalt  }
0x4d: {  	_ =	shalt  }
0x4e: {  	_ =	shalt  }
0x4f: {  	_ =	shalt  }
0x50: {  	_ =	shalt  }
0x51: {  	_ =	shalt  }
0x52: {  	_ =	shalt  }
0x53: {  	_ =	shalt  }
0x54: {  	_ =	shalt  }
0x55: {  	_ =	shalt  }
0x56: {  	_ =	shalt  }
0x57: {  	_ =	shalt  }
0x58: {  	_ =	shalt  }
0x59: {  	_ =	shalt  }
0x5a: {  	_ =	shalt  }
0x5b: {  	_ =	shalt  }
0x5c: {  	_ =	shalt  }
0x5d: {  	_ =	shalt  }
0x5e: {  	_ =	shalt  }
0x5f: {  	_ =	shalt  }
0x60: {  	_ =	shalt  }
0x61: {  	_ =	shalt  }
0x62: {  	_ =	shalt  }
0x63: {  	_ =	shalt  }
0x64: {  	_ =	shalt  }
0x65: {  	_ =	shalt  }
0x66: {  	_ =	shalt  }
0x67: {  	_ =	shalt  }
0x68: {  	_ =	shalt  }
0x69: {  	_ =	shalt  }
0x6a: {  	_ =	shalt  }
0x6b: {  	_ =	shalt  }
0x6c: {  	_ =	shalt  }
0x6d: {  	_ =	shalt  }
0x6e: {  	_ =	shalt  }
0x6f: {  	_ =	shalt  }
0x70: {  	_ =	shalt  }
0x71: {  	_ =	shalt  }
0x72: {  	_ =	shalt  }
0x73: {  	_ =	shalt  }
0x74: {  	_ =	shalt  }
0x75: {  	_ =	shalt  }
0x76: {  	_ =	shalt  }
0x77: {  	_ =	shalt  }
0x78: {  	_ =	shalt  }
0x79: {  	_ =	shalt  }
0x7a: {  	_ =	shalt  }
0x7b: {  	_ =	shalt  }
0x7c: {  	_ =	shalt  }
0x7d: {  	_ =	shalt  }
0x7e: {  	_ =	shalt  }
0x7f: {  	_ =	shalt  }
0x80: {  	_ =	shalt  }
0x81: {  	_ =	shalt  }
0x82: {  	_ =	shalt  }
0x83: {  	_ =	shalt  }
0x84: {  	_ =	shalt  }
0x85: {  	_ =	shalt  }
0x86: {  	_ =	shalt  }
0x87: {  	_ =	shalt  }
.Lfunc_end0:
.L_simem_size_0:
called_computation_lowered:
.L_overlay_start_0:
0x88: {  	s2 =	sld [smem:$0x3FD9]  }
0x89: {  	s3 =	sld [smem:$0x3FFE];
	_ =	sdelay $0x1  }
0x8a: {  	s1 =	srdreg.scid  }
0x8b: {  	s0 =	sand.u32 $0x1, s1  }
0x8c: {  	s17 =	sshll.u32 s0, $0xA;
	s2 =	sadd.s32 s3, s2  }
0x8d: {  	s2 =	sadd.s32 s2, s17  }
0x8e: {  	[smem:$0x3FBA] =	sst s2  }
0x8f: {  	_ = 	snop  }
0x90: {  	s2 =	sld [smem:$0x3FD0];
	(tm) =	ssettm $0x1  }
0x91: {  	s18 =	sld [smem:$0x3FFB];
	_ =	sdelay $0x3  }
0x92: {  	_ =	strace s18  }
0x93: {  	s3 =	sld [smem:$0x3FFC];
	_ =	sdelay $0x3  }
0x94: {  	_ =	strace s3  }
0x95: {  	s3 =	sld [smem:$0x3FFD];
	_ =	sdelay $0x3  }
0x96: {  	_ =	strace s3  }
0x97: {  	_ =	strace $0x8FFFFFFF  }
0x98: {  	s19 =	sld [smem:$0x3FDB];
	_ =	sdelay $0x1  }
0x99: {  	s4 =	simm.s32 $_scs_section_size  }
0x9a: {  	s5 =	simm.s32 $_size__tile_overlayer_lowered;
	s6 =	simm.s32 $_tile_overlayer_lowered  }
0x9b: {  	s22 =	simm.s32 $0x1BFF;
	s21 =	sshll.u32 s6, $0x1;
	s3 =	sadd.s32 s4, s19  }
0x9c: {  	s7 =	simm.s32 $0x0;
	s20 =	sshll.u32 s5, $0x1;
	s5 =	sadd.s32 s21, s3  }
0x9d: {  	[timem:s7], [sflag:s22] =	dma.local [hbm:s5], s20  }
0x9e: {  	_ =	swait.ge [sflag:s22], s20  }
0x9f: {  	s4 =	ssub.s32 $0x0, s20;
	[sflag:s22] =	ssyncset.done $0x0  }
0xa0: {  	[sflag:s22] =	ssyncadd.s32 s4;
	_ =	sdelay $0x1  }
0xa1: {  	s23 =	simm.s32 $0x1B8B  }
0xa2: {  	_ =	swait.ge [sflag:s23], $0x1  }
0xa3: {  	[sflag:s23] =	ssyncset.done $0x0  }
0xa4: {  	s25 =	simm.s32 $0x1B8E;
	s24 =	sld [smem:$0x3FFE];
	[sflag:s23] =	ssyncadd.s32 $0xFFFFFFFF  }
0xa5: {  	s26 =	simm.s32 $execute0_lowered;
	[smem:$0x3FD2] =	sst s25  }
0xa6: {  	s5 =	sshll.u32 s26, $0x1;
	_ =	strace $0x80000046;
	[dreg:$0x1] =	wrdreg $0xFFFFFFFF  }
0xa7: {  	s28 =	simm.s32 $_size_execute0_lowered;
	s3 =	sadd.s32 s3, s5;
	[dreg:$0x0] =	wrdreg $0x0  }
0xa8: {  	s5 =	sshll.u32 s28, $0x1;
	[dreg:$0x2] =	wrdreg s3  }
0xa9: {  	[dreg:$0x3] =	wrdreg s5  }
0xaa: {  	[dreg:$0x4] =	wrdreg $0xC0  }
0xab: {  	_ =	task [dreg:s7], $0x5FFFF  }
0xac: {  	[dreg:$0x1] =	wrdreg $0xFFFFFFFF  }
0xad: {  	[dreg:$0x0] =	wrdreg $0x60  }
0xae: {  	[dreg:$0x2] =	wrdreg s2  }
0xaf: {  	[dreg:$0x3] =	wrdreg s24  }
0xb0: {  	[dreg:$0x4] =	wrdreg $0x70000  }
0xb1: {  	[dreg:$0x5] =	wrdreg $0x9  }
0xb2: {  	_ =	task.clear_ibuf [dreg:s7], $0x6FFFF;
	_ =	strace $0x90000046  }
0xb3: {  	s29 =	simm.s32 $0x9;
	_ =	strace $0x80000048  }
0xb4: {  	_ =	swait.ge [sflag:s29], $0x1  }
0xb5: {  	[sflag:s29] =	ssyncadd.s32 $0xFFFFFFFF  }
0xb6: {  	_ =	strace $0x90000048  }
0xb7: {  	_ =	sfence  }
0xb8: {  	s30 =	sld [smem:$0x0];
	_ =	sdelay $0x2  }
0xb9: {  	s31 =	sshll.u32 s1, $0xD;
	s1 =	sshrl.u32 s1, $0x2  }
0xba: {  	s3 =	sand.u32 $0x4000, s31;
	s1 =	sadd.s32 s1, s30  }
0xbb: {  	s0 =	sor.u32 s3, s0;
	s1 =	sshll.u32 s1, $0x11  }
0xbc: {  	s0 =	sor.u32 s1, s0  }
0xbd: {  	s0 =	sadd.s32 $0x8F2B, s0  }
0xbe: {  	[sflag:s0] =	ssyncadd.remote.s32 $0x1  }
0xbf: {  	_ =	sfence.sel $0xFFFF  }
0xc0: {  	[dreg:$0x0] =	wrdreg $0xFFFFFFFF;
	(pc) =	sbr.abs _section_cstart, $3  }
0xc1: {  	[dreg:$0x1] =	wrdreg $0xFFFFFFFF  }
0xc2: {  	_ =	task.clear_ibuf [dreg:s7], $0x2FFFF;
	_ =	strace $0x9FFFFFFF  }
0xc3: {  	(tm) =	ssettm $0x7FFFFFFF  }
tec
execute0_lowered:
.L_overlay_start_1:
0x0: {  	(tag) =	ssettag $0x1  }
0x1: {  	s1 =	rddreg [dreg:$0x0]  }
0x2: {  	s0 =	rddreg [dreg:$0x1]  }
0x3: {  	s2 =	rddreg [dreg:$0x2];
	s3 =	srdreg.scid;
	s4 =	simm.s32 $0x0  }
0x4: {  	s11 =	stileid.u32;
	s20 =	simm.s32 $0x4800;
	s21 =	simm.s32 $0x2  }
0x5: {  	s22 =	simm.s32 $0x1000;
	s23 =	simm.s32 $0x50;
	s24 =	simm.s32 $0x2000  }
0x6: {  	s25 =	simm.s32 $0x1;
	s26 =	simm.s32 $0x0;
	s3 =	sand.u32 $0x1, s3  }
0x7: {  	[smem:$0x7FF] =	sst s4;
	s8 =	smul.u32 $0x14000, s11;
	s5 =	sadd.s32 $0x9EE000, s0  }
0x8: {  	s6 =	sadd.s32 $0x9C6000, s0;
	s9 =	smul.u32 $0x50000, s11;
	s31 =	sshll.u32 s11, $0x1  }
0x9: {  	s7 =	smul.u32 $0x140000, s3;
	s10 =	ssub.s32 $0x2, s3;
	s3 =	sor.u32 s3, s31  }
0xa: {  	_ =	strace $0x80000047;
	s30 =	sshrl.u32 s10, $0x1;
	s16 =	smul.u32 $0x2710, s3  }
0xb: {  	s9 =	sshrl.u32 s9, $0x2;
	s17 =	smul.u32 $0x5000, s3;
	s8 =	sadd.s32 s8, s7  }
0xc: {  	s7 =	sadd.s32 $0x9DA000, s0;
	s19 =	ssub.s32 s10, s30;
	s8 =	sshrl.u32 s8, $0x3  }
0xd: {  	s19 =	smax.u32 s19, $0x1;
	s0 =	sadd.s32 s8, s0;
	s8 =	sadd.s32 s9, s2  }
0xe: {  	s9 =	sadd.s32 $0x2800, s8;
	s10 =	sadd.s32 $0x5000, s8;
	s11 =	sadd.s32 $0x7800, s8  }
0xf: {  	s12 =	sadd.s32 $0xA000, s8;
	s13 =	sadd.s32 $0xC800, s8;
	s14 =	sadd.s32 $0xF000, s8  }
0x10: {  	v0 =	vimm.f32 $0.0e+00;
	s15 =	sadd.s32 $0x11800, s8;
	s18 =	sadd.s32 $0x2000, s0;
	[dreg:$0x4] =	wrdreg s9  }
.LBB2_1:
0x11: {  	s0 =	simm.s32 $0x0;
	s3 =	simm.s32 $0x200  }
.LBB2_2:
0x12: {  	p0 =	sne.s32 s3, $0x9E00;
	[tilespmem:s0+$0x4870] =	vst v0  }
0x13: {  	[tilespmem:s0+$0x4800] =	vst v0  }
0x14: {  	[tilespmem:s0+$0x4810] =	vst v0  }
.Ltmp0:
0x15: {  	[tilespmem:s0+$0x4820] =	vst v0;
	(pc) =	sbr.rel @p0 .LBB2_2-.Ltmp0, $4  }
0x16: {  	[tilespmem:s0+$0x4830] =	vst v0  }
0x17: {  	[tilespmem:s0+$0x4840] =	vst v0  }
0x18: {  	[tilespmem:s0+$0x4850] =	vst v0  }
0x19: {  	[tilespmem:s0+$0x4860] =	vst v0;
	s0 =	sshra.s32 s3, $0x2;
	s3 =	sadd.s32 $0x200, s3  }
0x1a: {  	[tilespmem:s0+$0x4870] =	vst v0  }
0x1b: {  	[tilespmem:s0+$0x4800] =	vst v0  }
0x1c: {  	[tilespmem:s0+$0x4810] =	vst v0  }
0x1d: {  	[tilespmem:s0+$0x4820] =	vst v0  }
0x1e: {  	[tilespmem:s0+$0x4830] =	vst v0  }
0x1f: {  	[tilespmem:s0+$0x4840] =	vst v0  }
0x20: {  	[tilespmem:s0+$0x4850] =	vst v0  }
0x21: {  	[tilespmem:s0+$0x4860] =	vst v0  }
0x22: {  	[spmem:s8] =	stream.linear.scatter [tilespmem:s20], [sflag:$0x2], $0x2800, $0x38;
	[tilespmem:$0x1B000] =	vst v63  }
0x23: {  	_ =	swait.ge [sflag:s21], $0x2800  }
0x24: {  	[sflag:s21] =	ssyncset.done $0x0  }
0x25: {  	s31 =	rddreg [dreg:$0x4];
	[sflag:s21] =	ssyncadd.s32 $0xFFFFD800  }
0x26: {  	[spmem:s31] =	stream.linear.scatter [tilespmem:s20], [sflag:$0x2], $0x2800, $0x38;
	[tilespmem:$0x1B000] =	vst v63  }
0x27: {  	_ =	swait.ge [sflag:s21], $0x2800  }
0x28: {  	[sflag:s21] =	ssyncset.done $0x0  }
0x29: {  	[sflag:s21] =	ssyncadd.s32 $0xFFFFD800  }
0x2a: {  	[spmem:s10] =	stream.linear.scatter [tilespmem:s20], [sflag:$0x2], $0x2800, $0x38;
	[tilespmem:$0x1B000] =	vst v63  }
0x2b: {  	_ =	swait.ge [sflag:s21], $0x2800  }
0x2c: {  	[sflag:s21] =	ssyncset.done $0x0  }
0x2d: {  	[sflag:s21] =	ssyncadd.s32 $0xFFFFD800  }
0x2e: {  	[spmem:s11] =	stream.linear.scatter [tilespmem:s20], [sflag:$0x2], $0x2800, $0x38;
	[tilespmem:$0x1B000] =	vst v63  }
0x2f: {  	_ =	swait.ge [sflag:s21], $0x2800  }
0x30: {  	[sflag:s21] =	ssyncset.done $0x0  }
0x31: {  	[sflag:s21] =	ssyncadd.s32 $0xFFFFD800  }
0x32: {  	[spmem:s12] =	stream.linear.scatter [tilespmem:s20], [sflag:$0x2], $0x2800, $0x38;
	[tilespmem:$0x1B000] =	vst v63  }
0x33: {  	_ =	swait.ge [sflag:s21], $0x2800  }
0x34: {  	[sflag:s21] =	ssyncset.done $0x0  }
0x35: {  	[sflag:s21] =	ssyncadd.s32 $0xFFFFD800  }
0x36: {  	[spmem:s13] =	stream.linear.scatter [tilespmem:s20], [sflag:$0x2], $0x2800, $0x38;
	[tilespmem:$0x1B000] =	vst v63  }
0x37: {  	_ =	swait.ge [sflag:s21], $0x2800  }
0x38: {  	[sflag:s21] =	ssyncset.done $0x0  }
0x39: {  	[sflag:s21] =	ssyncadd.s32 $0xFFFFD800  }
0x3a: {  	[spmem:s14] =	stream.linear.scatter [tilespmem:s20], [sflag:$0x2], $0x2800, $0x38;
	[tilespmem:$0x1B000] =	vst v63  }
0x3b: {  	_ =	swait.ge [sflag:s21], $0x2800  }
0x3c: {  	[sflag:s21] =	ssyncset.done $0x0  }
0x3d: {  	[sflag:s21] =	ssyncadd.s32 $0xFFFFD800  }
0x3e: {  	[spmem:s15] =	stream.linear.scatter [tilespmem:s20], [sflag:$0x2], $0x2800, $0x38;
	[tilespmem:$0x1B000] =	vst v63  }
0x3f: {  	_ =	swait.ge [sflag:s21], $0x2800  }
0x40: {  	[sflag:s21] =	ssyncset.done $0x0  }
0x41: {  	[sflag:s21] =	ssyncadd.s32 $0xFFFFD800  }
0x42: {  	s28 =	simm.s32 $0x0;
	[bflag:$0x0] =	sbarrier.arrive $0xFFFF  }
.LBB2_4:
0x43: {  	s0 =	sshll.u32 s28, $0xC  }
0x44: {  	s0 =	sadd.s32 s17, s0  }
0x45: {  	s0 =	sshrl.u32 s0, $0x3  }
0x46: {  	s3 =	sadd.s32 s6, s0  }
0x47: {  	[tilespmem:s26], [sflag:$0x2] =	stream.linear.gather [hbm4b:s3+s26], $0xC80, $0x38;
	[tilespmem:$0x1B000] =	vst v63  }
0x48: {  	_ =	swait.ge [sflag:s21], $0xC80  }
0x49: {  	[sflag:s21] =	ssyncset.done $0x0  }
0x4a: {  	s0 =	sadd.s32 s7, s0;
	[sflag:s21] =	ssyncadd.s32 $0xFFFFF380  }
0x4b: {  	[tilespmem:s22], [sflag:$0x2] =	stream.linear.gather [hbm4b:s0+s26], $0xC80, $0x38;
	[tilespmem:$0x1B000] =	vst v63  }
0x4c: {  	_ =	swait.ge [sflag:s21], $0xC80  }
0x4d: {  	[sflag:s21] =	ssyncset.done $0x0  }
0x4e: {  	s29 =	smul.u32 $0x19, s28;
	s30 =	simm.s32 $0x0;
	[sflag:s21] =	ssyncadd.s32 $0xFFFFF380  }
.LBB2_5:
0x4f: {  	_ = 	snop  }
0x50: {  	s0 =	sadd.s32 s29, s30  }
0x51: {  	s31 =	sshll.u32 s30, $0x7;
	s0 =	smul.u32 $0x50, s0  }
0x52: {  	[tilespmem:s24], [sflag:$0x1] =	stream.indirect.gather [hbm4b:s1+s23], $0x80, s31, s23, $0xb8;
	[tilespmem:$0x1B000] =	vst v63  }
0x53: {  	_ =	swait.ge [sflag:s25], $0x2800;
	s0 =	sadd.s32 s16, s0  }
0x54: {  	[sflag:s25] =	ssyncset.done $0x0;
	s0 =	sshll.u32 s0, $0x4  }
0x55: {  	s3 =	simm.s32 $0x0;
	[sflag:s25] =	ssyncadd.s32 $0xFFFFD800;
	s0 =	sadd.s32 s5, s0  }
0x56: {  	[tilespmem:s20], [sflag:$0x2] =	stream.linear.gather [hbm4b:s0+s3], $0x2800, $0x38;
	[tilespmem:$0x1B000] =	vst v63  }
0x57: {  	_ =	swait.ge [sflag:s21], $0x2800  }
0x58: {  	[sflag:s21] =	ssyncset.done $0x0  }
0x59: {  	s0 =	simm.s32 $0x0;
	[sflag:s21] =	ssyncadd.s32 $0xFFFFD800  }
0x5a: {  	v8 =	vld [tilespmem:s0+$0x4800]  }
0x5b: {  	v12 =	vld [tilespmem:s0+$0x4810]  }
0x5c: {  	v6 =	vld [tilespmem:s0+$0x4820]  }
0x5d: {  	v5 =	vld [tilespmem:s0+$0x4830]  }
0x5e: {  	v4 =	vld [tilespmem:s0+$0x4840]  }
0x5f: {  	v3 =	vld [tilespmem:s0+$0x4850]  }
0x60: {  	v2 =	vld [tilespmem:s0+$0x4860]  }
0x61: {  	v1 =	vld [tilespmem:s0+$0x4870]  }
0x62: {  	v13 =	vld [tilespmem:s0+$0x2000]  }
0x63: {  	v14 =	vld [tilespmem:s0+$0x2010]  }
0x64: {  	v11 =	vld [tilespmem:s0+$0x2020]  }
0x65: {  	v10 =	vld [tilespmem:s0+$0x2030]  }
0x66: {  	v9 =	vld [tilespmem:s0+$0x2040]  }
0x67: {  	v7 =	vld [tilespmem:s0+$0x2050];
	v13 =	vmul.f32 v8, v13  }
0x68: {  	s3 =	simm.s32 $0x200;
	v12 =	vmul.f32 v12, v14;
	v8 =	vld [tilespmem:s0+$0x2060]  }
.LBB2_6:
0x69: {  	s9 =	sshra.s32 s3, $0x2;
	p0 =	sne.s32 s3, $0x9E00;
	[tilespmem:s0+$0x2000] =	vst v13;
	v6 =	vmul.f32 v6, v11;
	v11 =	vld [tilespmem:s0+$0x2070]  }
0x6a: {  	v13 =	vld [tilespmem:s9+$0x4800];
	[tilespmem:s0+$0x2010] =	vst v12;
	v5 =	vmul.f32 v5, v10  }
0x6b: {  	v12 =	vld [tilespmem:s9+$0x4810];
	[tilespmem:s0+$0x2020] =	vst v6;
	v4 =	vmul.f32 v4, v9  }
0x6c: {  	v6 =	vld [tilespmem:s9+$0x4820];
	[tilespmem:s0+$0x2030] =	vst v5;
	v3 =	vmul.f32 v3, v7  }
0x6d: {  	v5 =	vld [tilespmem:s9+$0x4830];
	[tilespmem:s0+$0x2040] =	vst v4;
	v2 =	vmul.f32 v2, v8  }
0x6e: {  	v4 =	vld [tilespmem:s9+$0x4840];
	[tilespmem:s0+$0x2050] =	vst v3;
	v1 =	vmul.f32 v1, v11  }
0x6f: {  	v3 =	vld [tilespmem:s9+$0x4850];
	[tilespmem:s0+$0x2060] =	vst v2  }
0x70: {  	v2 =	vld [tilespmem:s9+$0x4860];
	[tilespmem:s0+$0x2070] =	vst v1;
	s0 =	smov.u32 s9  }
0x71: {  	v1 =	vld [tilespmem:s0+$0x4870]  }
0x72: {  	v7 =	vld [tilespmem:s0+$0x2000]  }
0x73: {  	v8 =	vld [tilespmem:s0+$0x2010]  }
.Ltmp1:
0x74: {  	v11 =	vld [tilespmem:s0+$0x2020];
	(pc) =	sbr.rel @p0 .LBB2_6-.Ltmp1, $4  }
0x75: {  	v10 =	vld [tilespmem:s0+$0x2030]  }
0x76: {  	v9 =	vld [tilespmem:s0+$0x2040]  }
0x77: {  	v13 =	vmul.f32 v13, v7;
	v7 =	vld [tilespmem:s0+$0x2050]  }
0x78: {  	s3 =	sadd.s32 $0x200, s3;
	v12 =	vmul.f32 v12, v8;
	v8 =	vld [tilespmem:s0+$0x2060]  }
0x79: {  	[tilespmem:s0+$0x2000] =	vst v13;
	v6 =	vmul.f32 v6, v11;
	v63 =	vld [tilespmem:s0+$0x2070]  }
0x7a: {  	[tilespmem:s0+$0x2010] =	vst v12;
	v5 =	vmul.f32 v5, v10  }
0x7b: {  	[tilespmem:s0+$0x2020] =	vst v6;
	v4 =	vmul.f32 v4, v9  }
0x7c: {  	[tilespmem:s0+$0x2030] =	vst v5;
	v3 =	vmul.f32 v3, v7  }
0x7d: {  	[tilespmem:s0+$0x2040] =	vst v4;
	v2 =	vmul.f32 v2, v8  }
0x7e: {  	s30 =	sadd.s32 $0x1, s30;
	[tilespmem:s0+$0x2050] =	vst v3;
	v1 =	vmul.f32 v1, v63  }
0x7f: {  	p0 =	sne.s32 s30, $0x19;
	[tilespmem:s0+$0x2060] =	vst v2  }
.Ltmp2:
0x80: {  	s31 =	sadd.s32 $0x1000, s31;
	[tilespmem:s0+$0x2070] =	vst v1;
	(pc) =	sbr.rel @p0 .LBB2_5-.Ltmp2, $4  }
0x81: {  	[spmem:s2] =	stream.indirect.scatter.add.f32 [tilespmem:s24], [sflag:$0x2], $0x80, s31, s23, $0xb8;
	[tilespmem:$0x1B000] =	vst v63  }
0x82: {  	_ =	swait.ge [sflag:s21], $0x2800  }
0x83: {  	[sflag:s21] =	ssyncset.done $0x0  }
0x84: {  	[sflag:s21] =	ssyncadd.s32 $0xFFFFD800  }
0x85: {  	s28 =	sadd.s32 $0x1, s28  }
0x86: {  	p0 =	sne.s32 s28, $0x5  }
.Ltmp3:
0x87: {  	_ = 	snop;
	(pc) =	sbr.rel @p0 .LBB2_4-.Ltmp3, $1  }
0x88: {  	_ =	sdelay $0x3  }
0x89: {  	s0 =	stileid.u32;
	s4 =	sadd.s32 $0x1, s4  }
0x8a: {  	[bflag:$0x0] =	sbarrier.arrive $0xFFFF;
	s0 =	sshll.u32 s0, $0x6;
	p0 =	sne.s32 s4, s19  }
.Ltmp4:
0x8b: {  	s3 =	sshrl.u32 s8, $0x3;
	s0 =	sor.u32 $0x1C02, s0;
	(pc) =	sbr.rel @p0 .LBB2_1-.Ltmp4, $4  }
0x8c: {  	[hbm:s18], [sflag:s0] =	dma.local [spmem:s3], $0x2800  }
0x8d: {  	_ =	swait.ge [sflag:s21], $0x2800  }
0x8e: {  	[sflag:s21] =	ssyncset.done $0x0  }
0x8f: {  	[sflag:s21] =	ssyncadd.s32 $0xFFFFD800  }
0x90: {  	_ =	sfence.sel $0x180000  }
0x91: {  	[bflag:$0x0] =	sbarrier.arrive $0xFFFF  }
0x92: {  	_ =	strace $0x90000047  }
0x93: {  	s0 =	stileid.u32;
	[bflag:$0x2] =	sbarrier.arrive $0xFFFF  }
0x94: {  	p0 =	sne.s32 s0, $0x0;
	s0 =	rddreg [dreg:$0x3]  }
0x95: {  	s0 =	sadd.s32 @!p0 $0x100000, s0  }
0x96: {  	[sflag:s0] =	ssyncadd.tile.s32 @!p0 $0x1;
	_ =	shalt  }
.Lfunc_end2:
_tile_overlayer_lowered:
.L_overlay_start_2:
0x97: {  	(tag) =	ssettag $0x2  }
0x98: {  	s0 =	rddreg [dreg:$0x0];
	s2 =	stileid.u32  }
0x99: {  	s1 =	rddreg [dreg:$0x1];
	p0 =	sne.s32 s2, $0x0  }
0x9a: {  	s3 =	rddreg [dreg:$0x2];
	[bflag:$0x3] =	sbarrier.arrive $0xFFFF;
	s2 =	simm.s32 @!p0 $0x1C02  }
0x9b: {  	[timem:s3], [sflag:s2] =	dma.local @!p0 [hbm:s0], s1  }
0x9c: {  	s0 =	simm.s32 @!p0 $0x2  }
0x9d: {  	_ =	swait.ge @!p0 [sflag:s0], s1  }
0x9e: {  	s1 =	ssub.s32 @!p0 $0x0, s1;
	[sflag:s0] =	ssyncset.done @!p0 $0x0  }
0x9f: {  	[sflag:s0] =	ssyncadd.s32 @!p0 s1  }
0xa0: {  	[bflag:$0x3] =	sbarrier.arrive $0xFFFF  }
0xa1: {  	_ =	shalt  }

</sc_bundles>
